<compile_context>
chip_gen: v7x
topology: tpu7x:2x2x1
jax: 0.10.2.dev20260603
libtpu: 0.0.44.dev20260713+nightly
codegen_flags: <defaults>
</compile_context>

<pallas_src>
import functools

import jax
import jax.numpy as jnp
from jax import lax
from jax.experimental import pallas as pl
from jax.experimental.pallas import tpu as pltpu
from jax.experimental.pallas import tpu_sc as plsc

_IDX_BLK = 128
_G = 4
_CHUNK = _G * _IDX_BLK
_NBUF = 2


@functools.lru_cache(maxsize=None)
def _build_gather(n_idx: int, n_rows: int, d: int):
    nc, ns = 2, 16
    nw = nc * ns
    rows_per_w = n_idx // (nw * _IDX_BLK)
    assert rows_per_w * nw * _IDX_BLK == n_idx
    steps = rows_per_w // _G
    assert steps * _G == rows_per_w and steps % _NBUF == 0 and steps >= 2 * _NBUF

    mesh = plsc.VectorSubcoreMesh(core_axis_name="c", subcore_axis_name="s")

    @functools.partial(
        pl.kernel,
        mesh=mesh,
        out_type=jax.ShapeDtypeStruct((n_idx, d), jnp.float32),
        scratch_types=[
            pltpu.VMEM((_NBUF * _G, _IDX_BLK), jnp.int32),
            pltpu.VMEM((_NBUF * _CHUNK, d), jnp.float32),
            [pltpu.SemaphoreType.DMA] * _NBUF,
            [pltpu.SemaphoreType.DMA] * _NBUF,
            [pltpu.SemaphoreType.DMA] * _NBUF,
        ],
        compiler_params=pltpu.CompilerParams(use_tc_tiling_on_sc=False),
    )
    def gk(idx_hbm, table_hbm, out_hbm, idx_v, rows_v, sem_i, sem_g, sem_o):
        wid = lax.axis_index("s") * nc + lax.axis_index("c")
        base_row = wid * rows_per_w

        def idx_copy(s, b):
            return pltpu.make_async_copy(
                idx_hbm.at[pl.ds(base_row + s * _G, _G)],
                idx_v.at[pl.ds(b * _G, _G)],
                sem_i[b],
            )

        def out_copy(s, b):
            return pltpu.make_async_copy(
                rows_v.at[pl.ds(b * _CHUNK, _CHUNK)],
                out_hbm.at[pl.ds((base_row + s * _G) * _IDX_BLK, _CHUNK)],
                sem_o[b],
            )

        def gather_copy(b, j):
            return pltpu.make_async_copy(
                table_hbm.at[idx_v.at[b * _G + j]],
                rows_v.at[pl.ds(b * _CHUNK + j * _IDX_BLK, _IDX_BLK)],
                sem_g[b],
            )

        for b in range(_NBUF):
            idx_copy(b, b).start()

        def body(g, carry):
            for b in range(_NBUF):
                s = g + b
                idx_copy(s, b).wait()

                @pl.when(s >= _NBUF)
                def _():
                    out_copy(s - _NBUF, b).wait()

                for j in range(_G):
                    gather_copy(b, j).start()
                for j in range(_G):
                    gather_copy(b, j).wait()

                @pl.when(s + _NBUF < steps)
                def _():
                    idx_copy(s + _NBUF, b).start()

                out_copy(s, b).start()
            return carry

        lax.fori_loop(0, steps // _NBUF, lambda i, c: body(i * _NBUF, c), 0,
                      unroll=False)

        for b in range(_NBUF):
            out_copy(steps - _NBUF + b, b).wait()

    return gk


def kernel(tc, embedding):
    b, h = tc.shape
    v, d = embedding.shape
    n = b * h
    idx = tc.reshape(n // _IDX_BLK, _IDX_BLK).astype(jnp.int32)
    gk = _build_gather(n, v, d)
    out_flat = gk(idx, embedding)
    return out_flat.reshape(b, h, d)

# --- scband reference (transcript-rebuilt; emitter-appended) ---
"""Pipeline reference for scband-position-expansion-32787780338079 (READ-ONLY COPY).

The authoritative reference and input builder live on the scoring server;
editing this copy changes nothing except your own understanding.
"""

import jax, jax.numpy as jnp
import numpy as np

PERIODS = 366
FREQS = 32
CHANNELS = FREQS * 2
BATCH = 16384
HIST = 200

def _build_table():
    sin_part = np.fromfunction(lambda i, j: np.sin(np.pi / PERIODS * 2 ** j * (i - 1)), (PERIODS + 1, FREQS))
    cos_part = np.fromfunction(lambda i, j: np.cos(np.pi / PERIODS * 2 ** j * (i - 1)), (PERIODS + 1, FREQS))
    return np.hstack([sin_part, cos_part]).astype(np.float32)

def setup_inputs(seed: int = 0) -> dict:
    key = jax.random.key(seed)
    tc = jax.random.randint(key, (BATCH, HIST), 0, PERIODS + 1, dtype=jnp.int64 if jax.config.jax_enable_x64 else jnp.int32)
    embedding = jnp.asarray(_build_table())
    return {"tc": tc, "embedding": embedding}

def reference(tc, embedding):
    flat = tc.reshape(-1).astype(jnp.int32)
    embedded = jnp.take(embedding, flat, axis=0)
    out_shape = tuple(tc.shape) + (embedding.shape[1],)
    return embedded.reshape(out_shape)

if __name__ == "__main__":
    import jax
    _d = setup_inputs()
    print(jax.jit(kernel)(*tuple(_d.values())))

</pallas_src>

<mosaic_0001>
#map = affine_map<(d0, d1) -> (0, 0)>
module attributes {stable_mosaic.version = 14 : i64} {
  func.func @gk(%arg0: i32, %arg1: i32, %arg2: memref<25600x128xi32, #tpu.memory_space<hbm>>, %arg3: memref<367x64xf32, #tpu.memory_space<hbm>>, %arg4: memref<3276800x64xf32, #tpu.memory_space<hbm>>, %arg5: memref<8x128xi32, #tpu.memory_space<vmem>>, %arg6: memref<1024x64xf32, #tpu.memory_space<vmem>>, %arg7: memref<!tpu.dma_semaphore, #tpu.memory_space<semaphore_mem>>, %arg8: memref<!tpu.dma_semaphore, #tpu.memory_space<semaphore_mem>>, %arg9: memref<!tpu.dma_semaphore, #tpu.memory_space<semaphore_mem>>, %arg10: memref<!tpu.dma_semaphore, #tpu.memory_space<semaphore_mem>>, %arg11: memref<!tpu.dma_semaphore, #tpu.memory_space<semaphore_mem>>, %arg12: memref<!tpu.dma_semaphore, #tpu.memory_space<semaphore_mem>>) attributes {dimension_semantics = [#tpu.dimension_semantics<core_parallel>, #tpu.dimension_semantics<subcore_parallel>], iteration_bounds = array<i64: 2, 16>, scalar_prefetch = 0 : i64, scratch_operands = 8 : i64, tpu.core_type = #tpu.core_type<sc_vector_subcore>, window_params = [{transform_indices = #map}, {transform_indices = #map}, {transform_indices = #map}]} {
    %mul3A = arith.constant 2 : i32
    %mul3A_0 = arith.muli %arg1, %mul3A : i32
    %add3A = arith.addi %mul3A_0, %arg0 : i32
    %mul3A_1 = arith.constant 800 : i32
    %mul3A_2 = arith.muli %add3A, %mul3A_1 : i32
    %add3A_3 = arith.constant 0 : i32
    %add3A_4 = arith.addi %mul3A_2, %add3A_3 : i32
    %dma_start3A = arith.constant 0 : i32
    %dma_start3A_5 = arith.constant 0 : i32
    %dma_start3A_6 = tpu.memref_slice %arg5[%dma_start3A, %dma_start3A_5] : memref<8x128xi32, #tpu.memory_space<vmem>> -> memref<4x128xi32, #tpu.memory_space<vmem>>
    %dma_start3A_7 = arith.constant 0 : i32
    %dma_start3A_8 = tpu.memref_slice %arg2[%add3A_4, %dma_start3A_7] : memref<25600x128xi32, #tpu.memory_space<hbm>> -> memref<4x128xi32, #tpu.memory_space<hbm>>
    %dma_start3A_9 = arith.constant 0 : i32
    %dma_start3A_10 = arith.constant 0 : i32
    %dma_start3A_11 = tpu.memref_slice %arg5[%dma_start3A_9, %dma_start3A_10] : memref<8x128xi32, #tpu.memory_space<vmem>> -> memref<4x128xi32, #tpu.memory_space<vmem>>
    %dma_start3A_12 = arith.constant 0 : i32
    %dma_start3A_13 = tpu.memref_slice %arg2[%add3A_4, %dma_start3A_12] : memref<25600x128xi32, #tpu.memory_space<hbm>> -> memref<4x128xi32, #tpu.memory_space<hbm>>
    tpu.enqueue_dma source(%dma_start3A_13 : memref<4x128xi32, #tpu.memory_space<hbm>>) target(%dma_start3A_11 : memref<4x128xi32, #tpu.memory_space<vmem>>) target_semaphore(%arg7 : memref<!tpu.dma_semaphore, #tpu.memory_space<semaphore_mem>>)
    %add3A_14 = arith.constant 4 : i32
    %add3A_15 = arith.addi %mul3A_2, %add3A_14 : i32
    %dma_start3A_16 = arith.constant 4 : i32
    %dma_start3A_17 = arith.constant 0 : i32
    %dma_start3A_18 = tpu.memref_slice %arg5[%dma_start3A_16, %dma_start3A_17] : memref<8x128xi32, #tpu.memory_space<vmem>> -> memref<4x128xi32, #tpu.memory_space<vmem>>
    %dma_start3A_19 = arith.constant 0 : i32
    %dma_start3A_20 = tpu.memref_slice %arg2[%add3A_15, %dma_start3A_19] : memref<25600x128xi32, #tpu.memory_space<hbm>> -> memref<4x128xi32, #tpu.memory_space<hbm>>
    %dma_start3A_21 = arith.constant 4 : i32
    %dma_start3A_22 = arith.constant 0 : i32
    %dma_start3A_23 = tpu.memref_slice %arg5[%dma_start3A_21, %dma_start3A_22] : memref<8x128xi32, #tpu.memory_space<vmem>> -> memref<4x128xi32, #tpu.memory_space<vmem>>
    %dma_start3A_24 = arith.constant 0 : i32
    %dma_start3A_25 = tpu.memref_slice %arg2[%add3A_15, %dma_start3A_24] : memref<25600x128xi32, #tpu.memory_space<hbm>> -> memref<4x128xi32, #tpu.memory_space<hbm>>
    tpu.enqueue_dma source(%dma_start3A_25 : memref<4x128xi32, #tpu.memory_space<hbm>>) target(%dma_start3A_23 : memref<4x128xi32, #tpu.memory_space<vmem>>) target_semaphore(%arg8 : memref<!tpu.dma_semaphore, #tpu.memory_space<semaphore_mem>>)
    %scan3A = arith.constant 0 : i32
    %scan3A_26 = arith.constant 0 : i32
    %scan3A_27 = arith.constant 100 : i32
    %scan3A_28 = arith.addi %scan3A_26, %scan3A_27 : i32
    %scan3A_29 = arith.constant 1 : i32
    scf.for %scan3A_58 = %scan3A_26 to %scan3A_28 step %scan3A_29  : i32 {
      %mul3A_59 = arith.constant 2 : i32
      %mul3A_60 = arith.muli %scan3A_58, %mul3A_59 : i32
      %add3A_61 = arith.constant 0 : i32
      %add3A_62 = arith.addi %mul3A_60, %add3A_61 : i32
      %mul3A_63 = arith.constant 4 : i32
      %mul3A_64 = arith.muli %add3A_62, %mul3A_63 : i32
      %add3A_65 = arith.addi %mul3A_2, %mul3A_64 : i32
      %dma_wait3A_66 = arith.constant 0 : i32
      %dma_wait3A_67 = arith.constant 0 : i32
      %dma_wait3A_68 = tpu.memref_slice %arg5[%dma_wait3A_66, %dma_wait3A_67] : memref<8x128xi32, #tpu.memory_space<vmem>> -> memref<4x128xi32, #tpu.memory_space<vmem>>
      %dma_wait3A_69 = arith.constant 0 : i32
      %dma_wait3A_70 = tpu.memref_slice %arg2[%add3A_65, %dma_wait3A_69] : memref<25600x128xi32, #tpu.memory_space<hbm>> -> memref<4x128xi32, #tpu.memory_space<hbm>>
      %dma_wait3A_71 = arith.constant 0 : i32
      %dma_wait3A_72 = arith.constant 0 : i32
      %dma_wait3A_73 = tpu.memref_slice %arg5[%dma_wait3A_71, %dma_wait3A_72] : memref<8x128xi32, #tpu.memory_space<vmem>> -> memref<4x128xi32, #tpu.memory_space<vmem>>
      %dma_wait3A_74 = arith.constant 0 : i32
      %dma_wait3A_75 = tpu.memref_slice %arg2[%add3A_65, %dma_wait3A_74] : memref<25600x128xi32, #tpu.memory_space<hbm>> -> memref<4x128xi32, #tpu.memory_space<hbm>>
      tpu.wait_dma2 semaphore(%arg7 : memref<!tpu.dma_semaphore, #tpu.memory_space<semaphore_mem>>) src(%dma_wait3A_75 : memref<4x128xi32, #tpu.memory_space<hbm>>) dst(%dma_wait3A_73 : memref<4x128xi32, #tpu.memory_space<vmem>>)
      %ge3A = arith.constant 2 : i32
      %ge3A_76 = arith.cmpi sge, %add3A_62, %ge3A : i32
      %convert_element_type3A = arith.extui %ge3A_76 : i1 to i32
      %cond3A = arith.constant 0 : i32
      %cond3A_77 = arith.cmpi ne, %convert_element_type3A, %cond3A : i32
      scf.if %cond3A_77 {
        %sub3A = arith.constant 2 : i32
        %sub3A_301 = arith.subi %add3A_62, %sub3A : i32
        %mul3A_302 = arith.constant 4 : i32
        %mul3A_303 = arith.muli %sub3A_301, %mul3A_302 : i32
        %add3A_304 = arith.addi %mul3A_2, %mul3A_303 : i32
        %mul3A_305 = arith.constant 128 : i32
        %mul3A_306 = arith.muli %add3A_304, %mul3A_305 : i32
        %dma_wait3A_307 = arith.constant 0 : i32
        %dma_wait3A_308 = arith.constant 0 : i32
        %dma_wait3A_309 = tpu.memref_slice %arg6[%dma_wait3A_307, %dma_wait3A_308] : memref<1024x64xf32, #tpu.memory_space<vmem>> -> memref<512x64xf32, #tpu.memory_space<vmem>>
        %dma_wait3A_310 = arith.constant 0 : i32
        %dma_wait3A_311 = tpu.memref_slice %arg4[%mul3A_306, %dma_wait3A_310] : memref<3276800x64xf32, #tpu.memory_space<hbm>> -> memref<512x64xf32, #tpu.memory_space<hbm>>
        %dma_wait3A_312 = arith.constant 0 : i32
        %dma_wait3A_313 = tpu.memref_slice %arg4[%mul3A_306, %dma_wait3A_312] : memref<3276800x64xf32, #tpu.memory_space<hbm>> -> memref<512x64xf32, #tpu.memory_space<hbm>>
        %dma_wait3A_314 = arith.constant 0 : i32
        %dma_wait3A_315 = arith.constant 0 : i32
        %dma_wait3A_316 = tpu.memref_slice %arg6[%dma_wait3A_314, %dma_wait3A_315] : memref<1024x64xf32, #tpu.memory_space<vmem>> -> memref<512x64xf32, #tpu.memory_space<vmem>>
        tpu.wait_dma2 semaphore(%arg11 : memref<!tpu.dma_semaphore, #tpu.memory_space<semaphore_mem>>) src(%dma_wait3A_316 : memref<512x64xf32, #tpu.memory_space<vmem>>) dst(%dma_wait3A_313 : memref<512x64xf32, #tpu.memory_space<hbm>>)
      } else {
      }
      %dma_start3A_78 = arith.constant 0 : i32
      %dma_start3A_79 = arith.constant 0 : i32
      %dma_start3A_80 = arith.constant 0 : i32
      %dma_start3A_81 = tpu.memref_slice %arg6[%dma_start3A_79, %dma_start3A_80] : memref<1024x64xf32, #tpu.memory_space<vmem>> -> memref<128x64xf32, #tpu.memory_space<vmem>>
      %dma_start3A_82 = arith.constant 0 : i32
      %dma_start3A_83 = tpu.memref_slice %arg5[%dma_start3A_78, %dma_start3A_82] : memref<8x128xi32, #tpu.memory_space<vmem>> -> memref<1x128xi32, #tpu.memory_space<vmem>>
      %dma_start3A_84 = tpu.memref_squeeze %dma_start3A_83 : memref<1x128xi32, #tpu.memory_space<vmem>> -> memref<128xi32, #tpu.memory_space<vmem>>
      %dma_start3A_85 = arith.constant 0 : i32
      %dma_start3A_86 = arith.constant 0 : i32
      %dma_start3A_87 = tpu.memref_slice %arg3[%dma_start3A_85, %dma_start3A_86] : memref<367x64xf32, #tpu.memory_space<hbm>> -> memref<367x64xf32, #tpu.memory_space<hbm>>
      tpu.enqueue_indirect_dma source(%dma_start3A_87 : memref<367x64xf32, #tpu.memory_space<hbm>>) target(%dma_start3A_81 : memref<128x64xf32, #tpu.memory_space<vmem>>) offsets(%dma_start3A_84 : memref<128xi32, #tpu.memory_space<vmem>>) semaphore(%arg9 : memref<!tpu.dma_semaphore, #tpu.memory_space<semaphore_mem>>)
      %dma_start3A_88 = arith.constant 1 : i32
      %dma_start3A_89 = arith.constant 128 : i32
      %dma_start3A_90 = arith.constant 0 : i32
      %dma_start3A_91 = tpu.memref_slice %arg6[%dma_start3A_89, %dma_start3A_90] : memref<1024x64xf32, #tpu.memory_space<vmem>> -> memref<128x64xf32, #tpu.memory_space<vmem>>
      %dma_start3A_92 = arith.constant 0 : i32
      %dma_start3A_93 = tpu.memref_slice %arg5[%dma_start3A_88, %dma_start3A_92] : memref<8x128xi32, #tpu.memory_space<vmem>> -> memref<1x128xi32, #tpu.memory_space<vmem>>
      %dma_start3A_94 = tpu.memref_squeeze %dma_start3A_93 : memref<1x128xi32, #tpu.memory_space<vmem>> -> memref<128xi32, #tpu.memory_space<vmem>>
      %dma_start3A_95 = arith.constant 0 : i32
      %dma_start3A_96 = arith.constant 0 : i32
      %dma_start3A_97 = tpu.memref_slice %arg3[%dma_start3A_95, %dma_start3A_96] : memref<367x64xf32, #tpu.memory_space<hbm>> -> memref<367x64xf32, #tpu.memory_space<hbm>>
      tpu.enqueue_indirect_dma source(%dma_start3A_97 : memref<367x64xf32, #tpu.memory_space<hbm>>) target(%dma_start3A_91 : memref<128x64xf32, #tpu.memory_space<vmem>>) offsets(%dma_start3A_94 : memref<128xi32, #tpu.memory_space<vmem>>) semaphore(%arg9 : memref<!tpu.dma_semaphore, #tpu.memory_space<semaphore_mem>>)
      %dma_start3A_98 = arith.constant 2 : i32
      %dma_start3A_99 = arith.constant 256 : i32
      %dma_start3A_100 = arith.constant 0 : i32
      %dma_start3A_101 = tpu.memref_slice %arg6[%dma_start3A_99, %dma_start3A_100] : memref<1024x64xf32, #tpu.memory_space<vmem>> -> memref<128x64xf32, #tpu.memory_space<vmem>>
      %dma_start3A_102 = arith.constant 0 : i32
      %dma_start3A_103 = tpu.memref_slice %arg5[%dma_start3A_98, %dma_start3A_102] : memref<8x128xi32, #tpu.memory_space<vmem>> -> memref<1x128xi32, #tpu.memory_space<vmem>>
      %dma_start3A_104 = tpu.memref_squeeze %dma_start3A_103 : memref<1x128xi32, #tpu.memory_space<vmem>> -> memref<128xi32, #tpu.memory_space<vmem>>
      %dma_start3A_105 = arith.constant 0 : i32
      %dma_start3A_106 = arith.constant 0 : i32
      %dma_start3A_107 = tpu.memref_slice %arg3[%dma_start3A_105, %dma_start3A_106] : memref<367x64xf32, #tpu.memory_space<hbm>> -> memref<367x64xf32, #tpu.memory_space<hbm>>
      tpu.enqueue_indirect_dma source(%dma_start3A_107 : memref<367x64xf32, #tpu.memory_space<hbm>>) target(%dma_start3A_101 : memref<128x64xf32, #tpu.memory_space<vmem>>) offsets(%dma_start3A_104 : memref<128xi32, #tpu.memory_space<vmem>>) semaphore(%arg9 : memref<!tpu.dma_semaphore, #tpu.memory_space<semaphore_mem>>)
      %dma_start3A_108 = arith.constant 3 : i32
      %dma_start3A_109 = arith.constant 384 : i32
      %dma_start3A_110 = arith.constant 0 : i32
      %dma_start3A_111 = tpu.memref_slice %arg6[%dma_start3A_109, %dma_start3A_110] : memref<1024x64xf32, #tpu.memory_space<vmem>> -> memref<128x64xf32, #tpu.memory_space<vmem>>
      %dma_start3A_112 = arith.constant 0 : i32
      %dma_start3A_113 = tpu.memref_slice %arg5[%dma_start3A_108, %dma_start3A_112] : memref<8x128xi32, #tpu.memory_space<vmem>> -> memref<1x128xi32, #tpu.memory_space<vmem>>
      %dma_start3A_114 = tpu.memref_squeeze %dma_start3A_113 : memref<1x128xi32, #tpu.memory_space<vmem>> -> memref<128xi32, #tpu.memory_space<vmem>>
      %dma_start3A_115 = arith.constant 0 : i32
      %dma_start3A_116 = arith.constant 0 : i32
      %dma_start3A_117 = tpu.memref_slice %arg3[%dma_start3A_115, %dma_start3A_116] : memref<367x64xf32, #tpu.memory_space<hbm>> -> memref<367x64xf32, #tpu.memory_space<hbm>>
      tpu.enqueue_indirect_dma source(%dma_start3A_117 : memref<367x64xf32, #tpu.memory_space<hbm>>) target(%dma_start3A_111 : memref<128x64xf32, #tpu.memory_space<vmem>>) offsets(%dma_start3A_114 : memref<128xi32, #tpu.memory_space<vmem>>) semaphore(%arg9 : memref<!tpu.dma_semaphore, #tpu.memory_space<semaphore_mem>>)
      %dma_wait3A_118 = arith.constant 0 : i32
      %dma_wait3A_119 = arith.constant 0 : i32
      %dma_wait3A_120 = arith.constant 0 : i32
      %dma_wait3A_121 = tpu.memref_slice %arg6[%dma_wait3A_119, %dma_wait3A_120] : memref<1024x64xf32, #tpu.memory_space<vmem>> -> memref<128x64xf32, #tpu.memory_space<vmem>>
      %dma_wait3A_122 = arith.constant 0 : i32
      %dma_wait3A_123 = tpu.memref_slice %arg5[%dma_wait3A_118, %dma_wait3A_122] : memref<8x128xi32, #tpu.memory_space<vmem>> -> memref<1x128xi32, #tpu.memory_space<vmem>>
      %dma_wait3A_124 = tpu.memref_squeeze %dma_wait3A_123 : memref<1x128xi32, #tpu.memory_space<vmem>> -> memref<128xi32, #tpu.memory_space<vmem>>
      %dma_wait3A_125 = arith.constant 0 : i32
      %dma_wait3A_126 = arith.constant 0 : i32
      %dma_wait3A_127 = tpu.memref_slice %arg3[%dma_wait3A_125, %dma_wait3A_126] : memref<367x64xf32, #tpu.memory_space<hbm>> -> memref<367x64xf32, #tpu.memory_space<hbm>>
      tpu.wait_indirect_dma semaphore(%arg9 : memref<!tpu.dma_semaphore, #tpu.memory_space<semaphore_mem>>) src(%dma_wait3A_127 : memref<367x64xf32, #tpu.memory_space<hbm>>) dst(%dma_wait3A_121 : memref<128x64xf32, #tpu.memory_space<vmem>>)
      %dma_wait3A_128 = arith.constant 1 : i32
      %dma_wait3A_129 = arith.constant 128 : i32
      %dma_wait3A_130 = arith.constant 0 : i32
      %dma_wait3A_131 = tpu.memref_slice %arg6[%dma_wait3A_129, %dma_wait3A_130] : memref<1024x64xf32, #tpu.memory_space<vmem>> -> memref<128x64xf32, #tpu.memory_space<vmem>>
      %dma_wait3A_132 = arith.constant 0 : i32
      %dma_wait3A_133 = tpu.memref_slice %arg5[%dma_wait3A_128, %dma_wait3A_132] : memref<8x128xi32, #tpu.memory_space<vmem>> -> memref<1x128xi32, #tpu.memory_space<vmem>>
      %dma_wait3A_134 = tpu.memref_squeeze %dma_wait3A_133 : memref<1x128xi32, #tpu.memory_space<vmem>> -> memref<128xi32, #tpu.memory_space<vmem>>
      %dma_wait3A_135 = arith.constant 0 : i32
      %dma_wait3A_136 = arith.constant 0 : i32
      %dma_wait3A_137 = tpu.memref_slice %arg3[%dma_wait3A_135, %dma_wait3A_136] : memref<367x64xf32, #tpu.memory_space<hbm>> -> memref<367x64xf32, #tpu.memory_space<hbm>>
      tpu.wait_indirect_dma semaphore(%arg9 : memref<!tpu.dma_semaphore, #tpu.memory_space<semaphore_mem>>) src(%dma_wait3A_137 : memref<367x64xf32, #tpu.memory_space<hbm>>) dst(%dma_wait3A_131 : memref<128x64xf32, #tpu.memory_space<vmem>>)
      %dma_wait3A_138 = arith.constant 2 : i32
      %dma_wait3A_139 = arith.constant 256 : i32
      %dma_wait3A_140 = arith.constant 0 : i32
      %dma_wait3A_141 = tpu.memref_slice %arg6[%dma_wait3A_139, %dma_wait3A_140] : memref<1024x64xf32, #tpu.memory_space<vmem>> -> memref<128x64xf32, #tpu.memory_space<vmem>>
      %dma_wait3A_142 = arith.constant 0 : i32
      %dma_wait3A_143 = tpu.memref_slice %arg5[%dma_wait3A_138, %dma_wait3A_142] : memref<8x128xi32, #tpu.memory_space<vmem>> -> memref<1x128xi32, #tpu.memory_space<vmem>>
      %dma_wait3A_144 = tpu.memref_squeeze %dma_wait3A_143 : memref<1x128xi32, #tpu.memory_space<vmem>> -> memref<128xi32, #tpu.memory_space<vmem>>
      %dma_wait3A_145 = arith.constant 0 : i32
      %dma_wait3A_146 = arith.constant 0 : i32
      %dma_wait3A_147 = tpu.memref_slice %arg3[%dma_wait3A_145, %dma_wait3A_146] : memref<367x64xf32, #tpu.memory_space<hbm>> -> memref<367x64xf32, #tpu.memory_space<hbm>>
      tpu.wait_indirect_dma semaphore(%arg9 : memref<!tpu.dma_semaphore, #tpu.memory_space<semaphore_mem>>) src(%dma_wait3A_147 : memref<367x64xf32, #tpu.memory_space<hbm>>) dst(%dma_wait3A_141 : memref<128x64xf32, #tpu.memory_space<vmem>>)
      %dma_wait3A_148 = arith.constant 3 : i32
      %dma_wait3A_149 = arith.constant 384 : i32
      %dma_wait3A_150 = arith.constant 0 : i32
      %dma_wait3A_151 = tpu.memref_slice %arg6[%dma_wait3A_149, %dma_wait3A_150] : memref<1024x64xf32, #tpu.memory_space<vmem>> -> memref<128x64xf32, #tpu.memory_space<vmem>>
      %dma_wait3A_152 = arith.constant 0 : i32
      %dma_wait3A_153 = tpu.memref_slice %arg5[%dma_wait3A_148, %dma_wait3A_152] : memref<8x128xi32, #tpu.memory_space<vmem>> -> memref<1x128xi32, #tpu.memory_space<vmem>>
      %dma_wait3A_154 = tpu.memref_squeeze %dma_wait3A_153 : memref<1x128xi32, #tpu.memory_space<vmem>> -> memref<128xi32, #tpu.memory_space<vmem>>
      %dma_wait3A_155 = arith.constant 0 : i32
      %dma_wait3A_156 = arith.constant 0 : i32
      %dma_wait3A_157 = tpu.memref_slice %arg3[%dma_wait3A_155, %dma_wait3A_156] : memref<367x64xf32, #tpu.memory_space<hbm>> -> memref<367x64xf32, #tpu.memory_space<hbm>>
      tpu.wait_indirect_dma semaphore(%arg9 : memref<!tpu.dma_semaphore, #tpu.memory_space<semaphore_mem>>) src(%dma_wait3A_157 : memref<367x64xf32, #tpu.memory_space<hbm>>) dst(%dma_wait3A_151 : memref<128x64xf32, #tpu.memory_space<vmem>>)
      %add3A_158 = arith.constant 2 : i32
      %add3A_159 = arith.addi %add3A_62, %add3A_158 : i32
      %lt3A = arith.constant 200 : i32
      %lt3A_160 = arith.cmpi slt, %add3A_159, %lt3A : i32
      %convert_element_type3A_161 = arith.extui %lt3A_160 : i1 to i32
      %cond3A_162 = arith.constant 0 : i32
      %cond3A_163 = arith.cmpi ne, %convert_element_type3A_161, %cond3A_162 : i32
      scf.if %cond3A_163 {
        %add3A_301 = arith.constant 2 : i32
        %add3A_302 = arith.addi %add3A_62, %add3A_301 : i32
        %mul3A_303 = arith.constant 4 : i32
        %mul3A_304 = arith.muli %add3A_302, %mul3A_303 : i32
        %add3A_305 = arith.addi %mul3A_2, %mul3A_304 : i32
        %dma_start3A_306 = arith.constant 0 : i32
        %dma_start3A_307 = arith.constant 0 : i32
        %dma_start3A_308 = tpu.memref_slice %arg5[%dma_start3A_306, %dma_start3A_307] : memref<8x128xi32, #tpu.memory_space<vmem>> -> memref<4x128xi32, #tpu.memory_space<vmem>>
        %dma_start3A_309 = arith.constant 0 : i32
        %dma_start3A_310 = tpu.memref_slice %arg2[%add3A_305, %dma_start3A_309] : memref<25600x128xi32, #tpu.memory_space<hbm>> -> memref<4x128xi32, #tpu.memory_space<hbm>>
        %dma_start3A_311 = arith.constant 0 : i32
        %dma_start3A_312 = arith.constant 0 : i32
        %dma_start3A_313 = tpu.memref_slice %arg5[%dma_start3A_311, %dma_start3A_312] : memref<8x128xi32, #tpu.memory_space<vmem>> -> memref<4x128xi32, #tpu.memory_space<vmem>>
        %dma_start3A_314 = arith.constant 0 : i32
        %dma_start3A_315 = tpu.memref_slice %arg2[%add3A_305, %dma_start3A_314] : memref<25600x128xi32, #tpu.memory_space<hbm>> -> memref<4x128xi32, #tpu.memory_space<hbm>>
        tpu.enqueue_dma source(%dma_start3A_315 : memref<4x128xi32, #tpu.memory_space<hbm>>) target(%dma_start3A_313 : memref<4x128xi32, #tpu.memory_space<vmem>>) target_semaphore(%arg7 : memref<!tpu.dma_semaphore, #tpu.memory_space<semaphore_mem>>)
      } else {
      }
      %mul3A_164 = arith.constant 4 : i32
      %mul3A_165 = arith.muli %add3A_62, %mul3A_164 : i32
      %add3A_166 = arith.addi %mul3A_2, %mul3A_165 : i32
      %mul3A_167 = arith.constant 128 : i32
      %mul3A_168 = arith.muli %add3A_166, %mul3A_167 : i32
      %dma_start3A_169 = arith.constant 0 : i32
      %dma_start3A_170 = arith.constant 0 : i32
      %dma_start3A_171 = tpu.memref_slice %arg6[%dma_start3A_169, %dma_start3A_170] : memref<1024x64xf32, #tpu.memory_space<vmem>> -> memref<512x64xf32, #tpu.memory_space<vmem>>
      %dma_start3A_172 = arith.constant 0 : i32
      %dma_start3A_173 = tpu.memref_slice %arg4[%mul3A_168, %dma_start3A_172] : memref<3276800x64xf32, #tpu.memory_space<hbm>> -> memref<512x64xf32, #tpu.memory_space<hbm>>
      %dma_start3A_174 = arith.constant 0 : i32
      %dma_start3A_175 = tpu.memref_slice %arg4[%mul3A_168, %dma_start3A_174] : memref<3276800x64xf32, #tpu.memory_space<hbm>> -> memref<512x64xf32, #tpu.memory_space<hbm>>
      %dma_start3A_176 = arith.constant 0 : i32
      %dma_start3A_177 = arith.constant 0 : i32
      %dma_start3A_178 = tpu.memref_slice %arg6[%dma_start3A_176, %dma_start3A_177] : memref<1024x64xf32, #tpu.memory_space<vmem>> -> memref<512x64xf32, #tpu.memory_space<vmem>>
      tpu.enqueue_dma source(%dma_start3A_178 : memref<512x64xf32, #tpu.memory_space<vmem>>) target(%dma_start3A_175 : memref<512x64xf32, #tpu.memory_space<hbm>>) target_semaphore(%arg11 : memref<!tpu.dma_semaphore, #tpu.memory_space<semaphore_mem>>)
      %add3A_179 = arith.constant 1 : i32
      %add3A_180 = arith.addi %mul3A_60, %add3A_179 : i32
      %mul3A_181 = arith.constant 4 : i32
      %mul3A_182 = arith.muli %add3A_180, %mul3A_181 : i32
      %add3A_183 = arith.addi %mul3A_2, %mul3A_182 : i32
      %dma_wait3A_184 = arith.constant 4 : i32
      %dma_wait3A_185 = arith.constant 0 : i32
      %dma_wait3A_186 = tpu.memref_slice %arg5[%dma_wait3A_184, %dma_wait3A_185] : memref<8x128xi32, #tpu.memory_space<vmem>> -> memref<4x128xi32, #tpu.memory_space<vmem>>
      %dma_wait3A_187 = arith.constant 0 : i32
      %dma_wait3A_188 = tpu.memref_slice %arg2[%add3A_183, %dma_wait3A_187] : memref<25600x128xi32, #tpu.memory_space<hbm>> -> memref<4x128xi32, #tpu.memory_space<hbm>>
      %dma_wait3A_189 = arith.constant 4 : i32
      %dma_wait3A_190 = arith.constant 0 : i32
      %dma_wait3A_191 = tpu.memref_slice %arg5[%dma_wait3A_189, %dma_wait3A_190] : memref<8x128xi32, #tpu.memory_space<vmem>> -> memref<4x128xi32, #tpu.memory_space<vmem>>
      %dma_wait3A_192 = arith.constant 0 : i32
      %dma_wait3A_193 = tpu.memref_slice %arg2[%add3A_183, %dma_wait3A_192] : memref<25600x128xi32, #tpu.memory_space<hbm>> -> memref<4x128xi32, #tpu.memory_space<hbm>>
      tpu.wait_dma2 semaphore(%arg8 : memref<!tpu.dma_semaphore, #tpu.memory_space<semaphore_mem>>) src(%dma_wait3A_193 : memref<4x128xi32, #tpu.memory_space<hbm>>) dst(%dma_wait3A_191 : memref<4x128xi32, #tpu.memory_space<vmem>>)
      %ge3A_194 = arith.constant 2 : i32
      %ge3A_195 = arith.cmpi sge, %add3A_180, %ge3A_194 : i32
      %convert_element_type3A_196 = arith.extui %ge3A_195 : i1 to i32
      %cond3A_197 = arith.constant 0 : i32
      %cond3A_198 = arith.cmpi ne, %convert_element_type3A_196, %cond3A_197 : i32
      scf.if %cond3A_198 {
        %sub3A = arith.constant 2 : i32
        %sub3A_301 = arith.subi %add3A_180, %sub3A : i32
        %mul3A_302 = arith.constant 4 : i32
        %mul3A_303 = arith.muli %sub3A_301, %mul3A_302 : i32
        %add3A_304 = arith.addi %mul3A_2, %mul3A_303 : i32
        %mul3A_305 = arith.constant 128 : i32
        %mul3A_306 = arith.muli %add3A_304, %mul3A_305 : i32
        %dma_wait3A_307 = arith.constant 512 : i32
        %dma_wait3A_308 = arith.constant 0 : i32
        %dma_wait3A_309 = tpu.memref_slice %arg6[%dma_wait3A_307, %dma_wait3A_308] : memref<1024x64xf32, #tpu.memory_space<vmem>> -> memref<512x64xf32, #tpu.memory_space<vmem>>
        %dma_wait3A_310 = arith.constant 0 : i32
        %dma_wait3A_311 = tpu.memref_slice %arg4[%mul3A_306, %dma_wait3A_310] : memref<3276800x64xf32, #tpu.memory_space<hbm>> -> memref<512x64xf32, #tpu.memory_space<hbm>>
        %dma_wait3A_312 = arith.constant 0 : i32
        %dma_wait3A_313 = tpu.memref_slice %arg4[%mul3A_306, %dma_wait3A_312] : memref<3276800x64xf32, #tpu.memory_space<hbm>> -> memref<512x64xf32, #tpu.memory_space<hbm>>
        %dma_wait3A_314 = arith.constant 512 : i32
        %dma_wait3A_315 = arith.constant 0 : i32
        %dma_wait3A_316 = tpu.memref_slice %arg6[%dma_wait3A_314, %dma_wait3A_315] : memref<1024x64xf32, #tpu.memory_space<vmem>> -> memref<512x64xf32, #tpu.memory_space<vmem>>
        tpu.wait_dma2 semaphore(%arg12 : memref<!tpu.dma_semaphore, #tpu.memory_space<semaphore_mem>>) src(%dma_wait3A_316 : memref<512x64xf32, #tpu.memory_space<vmem>>) dst(%dma_wait3A_313 : memref<512x64xf32, #tpu.memory_space<hbm>>)
      } else {
      }
      %dma_start3A_199 = arith.constant 4 : i32
      %dma_start3A_200 = arith.constant 512 : i32
      %dma_start3A_201 = arith.constant 0 : i32
      %dma_start3A_202 = tpu.memref_slice %arg6[%dma_start3A_200, %dma_start3A_201] : memref<1024x64xf32, #tpu.memory_space<vmem>> -> memref<128x64xf32, #tpu.memory_space<vmem>>
      %dma_start3A_203 = arith.constant 0 : i32
      %dma_start3A_204 = tpu.memref_slice %arg5[%dma_start3A_199, %dma_start3A_203] : memref<8x128xi32, #tpu.memory_space<vmem>> -> memref<1x128xi32, #tpu.memory_space<vmem>>
      %dma_start3A_205 = tpu.memref_squeeze %dma_start3A_204 : memref<1x128xi32, #tpu.memory_space<vmem>> -> memref<128xi32, #tpu.memory_space<vmem>>
      %dma_start3A_206 = arith.constant 0 : i32
      %dma_start3A_207 = arith.constant 0 : i32
      %dma_start3A_208 = tpu.memref_slice %arg3[%dma_start3A_206, %dma_start3A_207] : memref<367x64xf32, #tpu.memory_space<hbm>> -> memref<367x64xf32, #tpu.memory_space<hbm>>
      tpu.enqueue_indirect_dma source(%dma_start3A_208 : memref<367x64xf32, #tpu.memory_space<hbm>>) target(%dma_start3A_202 : memref<128x64xf32, #tpu.memory_space<vmem>>) offsets(%dma_start3A_205 : memref<128xi32, #tpu.memory_space<vmem>>) semaphore(%arg10 : memref<!tpu.dma_semaphore, #tpu.memory_space<semaphore_mem>>)
      %dma_start3A_209 = arith.constant 5 : i32
      %dma_start3A_210 = arith.constant 640 : i32
      %dma_start3A_211 = arith.constant 0 : i32
      %dma_start3A_212 = tpu.memref_slice %arg6[%dma_start3A_210, %dma_start3A_211] : memref<1024x64xf32, #tpu.memory_space<vmem>> -> memref<128x64xf32, #tpu.memory_space<vmem>>
      %dma_start3A_213 = arith.constant 0 : i32
      %dma_start3A_214 = tpu.memref_slice %arg5[%dma_start3A_209, %dma_start3A_213] : memref<8x128xi32, #tpu.memory_space<vmem>> -> memref<1x128xi32, #tpu.memory_space<vmem>>
      %dma_start3A_215 = tpu.memref_squeeze %dma_start3A_214 : memref<1x128xi32, #tpu.memory_space<vmem>> -> memref<128xi32, #tpu.memory_space<vmem>>
      %dma_start3A_216 = arith.constant 0 : i32
      %dma_start3A_217 = arith.constant 0 : i32
      %dma_start3A_218 = tpu.memref_slice %arg3[%dma_start3A_216, %dma_start3A_217] : memref<367x64xf32, #tpu.memory_space<hbm>> -> memref<367x64xf32, #tpu.memory_space<hbm>>
      tpu.enqueue_indirect_dma source(%dma_start3A_218 : memref<367x64xf32, #tpu.memory_space<hbm>>) target(%dma_start3A_212 : memref<128x64xf32, #tpu.memory_space<vmem>>) offsets(%dma_start3A_215 : memref<128xi32, #tpu.memory_space<vmem>>) semaphore(%arg10 : memref<!tpu.dma_semaphore, #tpu.memory_space<semaphore_mem>>)
      %dma_start3A_219 = arith.constant 6 : i32
      %dma_start3A_220 = arith.constant 768 : i32
      %dma_start3A_221 = arith.constant 0 : i32
      %dma_start3A_222 = tpu.memref_slice %arg6[%dma_start3A_220, %dma_start3A_221] : memref<1024x64xf32, #tpu.memory_space<vmem>> -> memref<128x64xf32, #tpu.memory_space<vmem>>
      %dma_start3A_223 = arith.constant 0 : i32
      %dma_start3A_224 = tpu.memref_slice %arg5[%dma_start3A_219, %dma_start3A_223] : memref<8x128xi32, #tpu.memory_space<vmem>> -> memref<1x128xi32, #tpu.memory_space<vmem>>
      %dma_start3A_225 = tpu.memref_squeeze %dma_start3A_224 : memref<1x128xi32, #tpu.memory_space<vmem>> -> memref<128xi32, #tpu.memory_space<vmem>>
      %dma_start3A_226 = arith.constant 0 : i32
      %dma_start3A_227 = arith.constant 0 : i32
      %dma_start3A_228 = tpu.memref_slice %arg3[%dma_start3A_226, %dma_start3A_227] : memref<367x64xf32, #tpu.memory_space<hbm>> -> memref<367x64xf32, #tpu.memory_space<hbm>>
      tpu.enqueue_indirect_dma source(%dma_start3A_228 : memref<367x64xf32, #tpu.memory_space<hbm>>) target(%dma_start3A_222 : memref<128x64xf32, #tpu.memory_space<vmem>>) offsets(%dma_start3A_225 : memref<128xi32, #tpu.memory_space<vmem>>) semaphore(%arg10 : memref<!tpu.dma_semaphore, #tpu.memory_space<semaphore_mem>>)
      %dma_start3A_229 = arith.constant 7 : i32
      %dma_start3A_230 = arith.constant 896 : i32
      %dma_start3A_231 = arith.constant 0 : i32
      %dma_start3A_232 = tpu.memref_slice %arg6[%dma_start3A_230, %dma_start3A_231] : memref<1024x64xf32, #tpu.memory_space<vmem>> -> memref<128x64xf32, #tpu.memory_space<vmem>>
      %dma_start3A_233 = arith.constant 0 : i32
      %dma_start3A_234 = tpu.memref_slice %arg5[%dma_start3A_229, %dma_start3A_233] : memref<8x128xi32, #tpu.memory_space<vmem>> -> memref<1x128xi32, #tpu.memory_space<vmem>>
      %dma_start3A_235 = tpu.memref_squeeze %dma_start3A_234 : memref<1x128xi32, #tpu.memory_space<vmem>> -> memref<128xi32, #tpu.memory_space<vmem>>
      %dma_start3A_236 = arith.constant 0 : i32
      %dma_start3A_237 = arith.constant 0 : i32
      %dma_start3A_238 = tpu.memref_slice %arg3[%dma_start3A_236, %dma_start3A_237] : memref<367x64xf32, #tpu.memory_space<hbm>> -> memref<367x64xf32, #tpu.memory_space<hbm>>
      tpu.enqueue_indirect_dma source(%dma_start3A_238 : memref<367x64xf32, #tpu.memory_space<hbm>>) target(%dma_start3A_232 : memref<128x64xf32, #tpu.memory_space<vmem>>) offsets(%dma_start3A_235 : memref<128xi32, #tpu.memory_space<vmem>>) semaphore(%arg10 : memref<!tpu.dma_semaphore, #tpu.memory_space<semaphore_mem>>)
      %dma_wait3A_239 = arith.constant 4 : i32
      %dma_wait3A_240 = arith.constant 512 : i32
      %dma_wait3A_241 = arith.constant 0 : i32
      %dma_wait3A_242 = tpu.memref_slice %arg6[%dma_wait3A_240, %dma_wait3A_241] : memref<1024x64xf32, #tpu.memory_space<vmem>> -> memref<128x64xf32, #tpu.memory_space<vmem>>
      %dma_wait3A_243 = arith.constant 0 : i32
      %dma_wait3A_244 = tpu.memref_slice %arg5[%dma_wait3A_239, %dma_wait3A_243] : memref<8x128xi32, #tpu.memory_space<vmem>> -> memref<1x128xi32, #tpu.memory_space<vmem>>
      %dma_wait3A_245 = tpu.memref_squeeze %dma_wait3A_244 : memref<1x128xi32, #tpu.memory_space<vmem>> -> memref<128xi32, #tpu.memory_space<vmem>>
      %dma_wait3A_246 = arith.constant 0 : i32
      %dma_wait3A_247 = arith.constant 0 : i32
      %dma_wait3A_248 = tpu.memref_slice %arg3[%dma_wait3A_246, %dma_wait3A_247] : memref<367x64xf32, #tpu.memory_space<hbm>> -> memref<367x64xf32, #tpu.memory_space<hbm>>
      tpu.wait_indirect_dma semaphore(%arg10 : memref<!tpu.dma_semaphore, #tpu.memory_space<semaphore_mem>>) src(%dma_wait3A_248 : memref<367x64xf32, #tpu.memory_space<hbm>>) dst(%dma_wait3A_242 : memref<128x64xf32, #tpu.memory_space<vmem>>)
      %dma_wait3A_249 = arith.constant 5 : i32
      %dma_wait3A_250 = arith.constant 640 : i32
      %dma_wait3A_251 = arith.constant 0 : i32
      %dma_wait3A_252 = tpu.memref_slice %arg6[%dma_wait3A_250, %dma_wait3A_251] : memref<1024x64xf32, #tpu.memory_space<vmem>> -> memref<128x64xf32, #tpu.memory_space<vmem>>
      %dma_wait3A_253 = arith.constant 0 : i32
      %dma_wait3A_254 = tpu.memref_slice %arg5[%dma_wait3A_249, %dma_wait3A_253] : memref<8x128xi32, #tpu.memory_space<vmem>> -> memref<1x128xi32, #tpu.memory_space<vmem>>
      %dma_wait3A_255 = tpu.memref_squeeze %dma_wait3A_254 : memref<1x128xi32, #tpu.memory_space<vmem>> -> memref<128xi32, #tpu.memory_space<vmem>>
      %dma_wait3A_256 = arith.constant 0 : i32
      %dma_wait3A_257 = arith.constant 0 : i32
      %dma_wait3A_258 = tpu.memref_slice %arg3[%dma_wait3A_256, %dma_wait3A_257] : memref<367x64xf32, #tpu.memory_space<hbm>> -> memref<367x64xf32, #tpu.memory_space<hbm>>
      tpu.wait_indirect_dma semaphore(%arg10 : memref<!tpu.dma_semaphore, #tpu.memory_space<semaphore_mem>>) src(%dma_wait3A_258 : memref<367x64xf32, #tpu.memory_space<hbm>>) dst(%dma_wait3A_252 : memref<128x64xf32, #tpu.memory_space<vmem>>)
      %dma_wait3A_259 = arith.constant 6 : i32
      %dma_wait3A_260 = arith.constant 768 : i32
      %dma_wait3A_261 = arith.constant 0 : i32
      %dma_wait3A_262 = tpu.memref_slice %arg6[%dma_wait3A_260, %dma_wait3A_261] : memref<1024x64xf32, #tpu.memory_space<vmem>> -> memref<128x64xf32, #tpu.memory_space<vmem>>
      %dma_wait3A_263 = arith.constant 0 : i32
      %dma_wait3A_264 = tpu.memref_slice %arg5[%dma_wait3A_259, %dma_wait3A_263] : memref<8x128xi32, #tpu.memory_space<vmem>> -> memref<1x128xi32, #tpu.memory_space<vmem>>
      %dma_wait3A_265 = tpu.memref_squeeze %dma_wait3A_264 : memref<1x128xi32, #tpu.memory_space<vmem>> -> memref<128xi32, #tpu.memory_space<vmem>>
      %dma_wait3A_266 = arith.constant 0 : i32
      %dma_wait3A_267 = arith.constant 0 : i32
      %dma_wait3A_268 = tpu.memref_slice %arg3[%dma_wait3A_266, %dma_wait3A_267] : memref<367x64xf32, #tpu.memory_space<hbm>> -> memref<367x64xf32, #tpu.memory_space<hbm>>
      tpu.wait_indirect_dma semaphore(%arg10 : memref<!tpu.dma_semaphore, #tpu.memory_space<semaphore_mem>>) src(%dma_wait3A_268 : memref<367x64xf32, #tpu.memory_space<hbm>>) dst(%dma_wait3A_262 : memref<128x64xf32, #tpu.memory_space<vmem>>)
      %dma_wait3A_269 = arith.constant 7 : i32
      %dma_wait3A_270 = arith.constant 896 : i32
      %dma_wait3A_271 = arith.constant 0 : i32
      %dma_wait3A_272 = tpu.memref_slice %arg6[%dma_wait3A_270, %dma_wait3A_271] : memref<1024x64xf32, #tpu.memory_space<vmem>> -> memref<128x64xf32, #tpu.memory_space<vmem>>
      %dma_wait3A_273 = arith.constant 0 : i32
      %dma_wait3A_274 = tpu.memref_slice %arg5[%dma_wait3A_269, %dma_wait3A_273] : memref<8x128xi32, #tpu.memory_space<vmem>> -> memref<1x128xi32, #tpu.memory_space<vmem>>
      %dma_wait3A_275 = tpu.memref_squeeze %dma_wait3A_274 : memref<1x128xi32, #tpu.memory_space<vmem>> -> memref<128xi32, #tpu.memory_space<vmem>>
      %dma_wait3A_276 = arith.constant 0 : i32
      %dma_wait3A_277 = arith.constant 0 : i32
      %dma_wait3A_278 = tpu.memref_slice %arg3[%dma_wait3A_276, %dma_wait3A_277] : memref<367x64xf32, #tpu.memory_space<hbm>> -> memref<367x64xf32, #tpu.memory_space<hbm>>
      tpu.wait_indirect_dma semaphore(%arg10 : memref<!tpu.dma_semaphore, #tpu.memory_space<semaphore_mem>>) src(%dma_wait3A_278 : memref<367x64xf32, #tpu.memory_space<hbm>>) dst(%dma_wait3A_272 : memref<128x64xf32, #tpu.memory_space<vmem>>)
      %add3A_279 = arith.constant 2 : i32
      %add3A_280 = arith.addi %add3A_180, %add3A_279 : i32
      %lt3A_281 = arith.constant 200 : i32
      %lt3A_282 = arith.cmpi slt, %add3A_280, %lt3A_281 : i32
      %convert_element_type3A_283 = arith.extui %lt3A_282 : i1 to i32
      %cond3A_284 = arith.constant 0 : i32
      %cond3A_285 = arith.cmpi ne, %convert_element_type3A_283, %cond3A_284 : i32
      scf.if %cond3A_285 {
        %add3A_301 = arith.constant 2 : i32
        %add3A_302 = arith.addi %add3A_180, %add3A_301 : i32
        %mul3A_303 = arith.constant 4 : i32
        %mul3A_304 = arith.muli %add3A_302, %mul3A_303 : i32
        %add3A_305 = arith.addi %mul3A_2, %mul3A_304 : i32
        %dma_start3A_306 = arith.constant 4 : i32
        %dma_start3A_307 = arith.constant 0 : i32
        %dma_start3A_308 = tpu.memref_slice %arg5[%dma_start3A_306, %dma_start3A_307] : memref<8x128xi32, #tpu.memory_space<vmem>> -> memref<4x128xi32, #tpu.memory_space<vmem>>
        %dma_start3A_309 = arith.constant 0 : i32
        %dma_start3A_310 = tpu.memref_slice %arg2[%add3A_305, %dma_start3A_309] : memref<25600x128xi32, #tpu.memory_space<hbm>> -> memref<4x128xi32, #tpu.memory_space<hbm>>
        %dma_start3A_311 = arith.constant 4 : i32
        %dma_start3A_312 = arith.constant 0 : i32
        %dma_start3A_313 = tpu.memref_slice %arg5[%dma_start3A_311, %dma_start3A_312] : memref<8x128xi32, #tpu.memory_space<vmem>> -> memref<4x128xi32, #tpu.memory_space<vmem>>
        %dma_start3A_314 = arith.constant 0 : i32
        %dma_start3A_315 = tpu.memref_slice %arg2[%add3A_305, %dma_start3A_314] : memref<25600x128xi32, #tpu.memory_space<hbm>> -> memref<4x128xi32, #tpu.memory_space<hbm>>
        tpu.enqueue_dma source(%dma_start3A_315 : memref<4x128xi32, #tpu.memory_space<hbm>>) target(%dma_start3A_313 : memref<4x128xi32, #tpu.memory_space<vmem>>) target_semaphore(%arg8 : memref<!tpu.dma_semaphore, #tpu.memory_space<semaphore_mem>>)
      } else {
      }
      %mul3A_286 = arith.constant 4 : i32
      %mul3A_287 = arith.muli %add3A_180, %mul3A_286 : i32
      %add3A_288 = arith.addi %mul3A_2, %mul3A_287 : i32
      %mul3A_289 = arith.constant 128 : i32
      %mul3A_290 = arith.muli %add3A_288, %mul3A_289 : i32
      %dma_start3A_291 = arith.constant 512 : i32
      %dma_start3A_292 = arith.constant 0 : i32
      %dma_start3A_293 = tpu.memref_slice %arg6[%dma_start3A_291, %dma_start3A_292] : memref<1024x64xf32, #tpu.memory_space<vmem>> -> memref<512x64xf32, #tpu.memory_space<vmem>>
      %dma_start3A_294 = arith.constant 0 : i32
      %dma_start3A_295 = tpu.memref_slice %arg4[%mul3A_290, %dma_start3A_294] : memref<3276800x64xf32, #tpu.memory_space<hbm>> -> memref<512x64xf32, #tpu.memory_space<hbm>>
      %dma_start3A_296 = arith.constant 0 : i32
      %dma_start3A_297 = tpu.memref_slice %arg4[%mul3A_290, %dma_start3A_296] : memref<3276800x64xf32, #tpu.memory_space<hbm>> -> memref<512x64xf32, #tpu.memory_space<hbm>>
      %dma_start3A_298 = arith.constant 512 : i32
      %dma_start3A_299 = arith.constant 0 : i32
      %dma_start3A_300 = tpu.memref_slice %arg6[%dma_start3A_298, %dma_start3A_299] : memref<1024x64xf32, #tpu.memory_space<vmem>> -> memref<512x64xf32, #tpu.memory_space<vmem>>
      tpu.enqueue_dma source(%dma_start3A_300 : memref<512x64xf32, #tpu.memory_space<vmem>>) target(%dma_start3A_297 : memref<512x64xf32, #tpu.memory_space<hbm>>) target_semaphore(%arg12 : memref<!tpu.dma_semaphore, #tpu.memory_space<semaphore_mem>>)
    }
    %scan3A_30 = arith.constant 100 : i32
    %add3A_31 = arith.constant 792 : i32
    %add3A_32 = arith.addi %mul3A_2, %add3A_31 : i32
    %mul3A_33 = arith.constant 128 : i32
    %mul3A_34 = arith.muli %add3A_32, %mul3A_33 : i32
    %dma_wait3A = arith.constant 0 : i32
    %dma_wait3A_35 = arith.constant 0 : i32
    %dma_wait3A_36 = tpu.memref_slice %arg6[%dma_wait3A, %dma_wait3A_35] : memref<1024x64xf32, #tpu.memory_space<vmem>> -> memref<512x64xf32, #tpu.memory_space<vmem>>
    %dma_wait3A_37 = arith.constant 0 : i32
    %dma_wait3A_38 = tpu.memref_slice %arg4[%mul3A_34, %dma_wait3A_37] : memref<3276800x64xf32, #tpu.memory_space<hbm>> -> memref<512x64xf32, #tpu.memory_space<hbm>>
    %dma_wait3A_39 = arith.constant 0 : i32
    %dma_wait3A_40 = tpu.memref_slice %arg4[%mul3A_34, %dma_wait3A_39] : memref<3276800x64xf32, #tpu.memory_space<hbm>> -> memref<512x64xf32, #tpu.memory_space<hbm>>
    %dma_wait3A_41 = arith.constant 0 : i32
    %dma_wait3A_42 = arith.constant 0 : i32
    %dma_wait3A_43 = tpu.memref_slice %arg6[%dma_wait3A_41, %dma_wait3A_42] : memref<1024x64xf32, #tpu.memory_space<vmem>> -> memref<512x64xf32, #tpu.memory_space<vmem>>
    tpu.wait_dma2 semaphore(%arg11 : memref<!tpu.dma_semaphore, #tpu.memory_space<semaphore_mem>>) src(%dma_wait3A_43 : memref<512x64xf32, #tpu.memory_space<vmem>>) dst(%dma_wait3A_40 : memref<512x64xf32, #tpu.memory_space<hbm>>)
    %add3A_44 = arith.constant 796 : i32
    %add3A_45 = arith.addi %mul3A_2, %add3A_44 : i32
    %mul3A_46 = arith.constant 128 : i32
    %mul3A_47 = arith.muli %add3A_45, %mul3A_46 : i32
    %dma_wait3A_48 = arith.constant 512 : i32
    %dma_wait3A_49 = arith.constant 0 : i32
    %dma_wait3A_50 = tpu.memref_slice %arg6[%dma_wait3A_48, %dma_wait3A_49] : memref<1024x64xf32, #tpu.memory_space<vmem>> -> memref<512x64xf32, #tpu.memory_space<vmem>>
    %dma_wait3A_51 = arith.constant 0 : i32
    %dma_wait3A_52 = tpu.memref_slice %arg4[%mul3A_47, %dma_wait3A_51] : memref<3276800x64xf32, #tpu.memory_space<hbm>> -> memref<512x64xf32, #tpu.memory_space<hbm>>
    %dma_wait3A_53 = arith.constant 0 : i32
    %dma_wait3A_54 = tpu.memref_slice %arg4[%mul3A_47, %dma_wait3A_53] : memref<3276800x64xf32, #tpu.memory_space<hbm>> -> memref<512x64xf32, #tpu.memory_space<hbm>>
    %dma_wait3A_55 = arith.constant 512 : i32
    %dma_wait3A_56 = arith.constant 0 : i32
    %dma_wait3A_57 = tpu.memref_slice %arg6[%dma_wait3A_55, %dma_wait3A_56] : memref<1024x64xf32, #tpu.memory_space<vmem>> -> memref<512x64xf32, #tpu.memory_space<vmem>>
    tpu.wait_dma2 semaphore(%arg12 : memref<!tpu.dma_semaphore, #tpu.memory_space<semaphore_mem>>) src(%dma_wait3A_57 : memref<512x64xf32, #tpu.memory_space<vmem>>) dst(%dma_wait3A_54 : memref<512x64xf32, #tpu.memory_space<hbm>>)
    return
  }
}

</mosaic_0001>

<sc_bundles>
// kernel: kernel.3.cloned.1.call-start
scs
__scs_entry_jumppad:
0x0: {  	(pc) =	sbr.rel $0x88, $3  }
0x1: {  	(tag) =	ssettag $0x0;
	lr =	simm.s32 $0x1  }
0x2: {  	[smem:$0x3F9F] =	sst lr;
	_ =	strace $0xD0000000  }
0x3: {  	_ = 	snop  }
0x4: {  	_ = 	snop  }
0x5: {  	_ = 	snop  }
0x6: {  	_ = 	snop  }
0x7: {  	_ = 	snop  }
__scs_overlays_trampoline_lowered:
0x8: {  	[smem:$0x3FAE] =	sst s0  }
0x9: {  	[smem:$0x3FAF] =	sst s1  }
0xa: {  	[smem:$0x3FB0] =	sst s2  }
0xb: {  	[smem:$0x3FB1] =	sst s3  }
0xc: {  	[smem:$0x3FB2] =	sst s4  }
0xd: {  	[smem:$0x3FB3] =	sst s5  }
0xe: {  	[smem:$0x3FB4] =	sst s6  }
0xf: {  	[smem:$0x3FB5] =	sst s7  }
0x10: {  	[smem:$0x3FB6] =	sst s8  }
0x11: {  	[smem:$0x3FB7] =	sst s9;
	s0 =	simm.s32 @!p0 $0x0  }
0x12: {  	s1 =	sld [smem:$0x3F9D];
	s0 =	simm.s32 @p0 $0x1  }
0x13: {  	[smem:$0x3FB8] =	sst s0;
	s0 =	simm.s32 @!p1 $0x0  }
0x14: {  	s2 =	sld [smem:$0x3F9C];
	s0 =	simm.s32 @p1 $0x1  }
0x15: {  	[smem:$0x3FB9] =	sst s0;
	s0 =	simm.s32 @!p2 $0x0  }
0x16: {  	s3 =	sld [smem:$0x3FDB];
	s0 =	simm.s32 @p2 $0x1  }
0x17: {  	s4 =	simm.s32 $0x1BF5;
	[smem:$0x3FBB] =	sst s0  }
0x18: {  	s0 =	sld [smem:$0x3F9E];
	_ =	swait.ge [sflag:s4], $0x0  }
0x19: {  	s7 =	sld [smem:$0x3F9F]  }
0x1a: {  	s8 =	sadd.s32 $0xFFFFE003, lr  }
0x1b: {  	s9 =	sadd.s32 $0xFFFFFEF7, lr;
	s5 =	simm.s32 $0xFFFFFFFF;
	p2 =	slt.u32 s8, $0xFFFFF086  }
0x1c: {  	p1 =	slt.u32 s9, $0xF7A;
	s5 =	simm.s32 @!p2 $0x0  }
0x1d: {  	s5 =	simm.s32 @p1 $0x1;
	p0 =	seq.s32 s7, s2  }
0x1e: {  	s7 =	smul.u32 @!p0 $0xF7A, s2;
	p2 =	seq.s32 @!p0 s5, $0x0  }
0x1f: {  	s9 =	smul.u32 $0xF7A, s1;
	s8 =	simm.s32 @!p0 $0x1BF5;
	p2 =	por !p2, p0  }
0x20: {  	[sflag:s8] =	ssyncset.s32 @!p0 $0xFFFFF086;
	s6 =	sadd.s32 @!p0 s3, s7;
	s7 =	simm.s32 @!p0 $0x108  }
0x21: {  	s3 =	sadd.s32 s3, s9;
	s6 =	sadd.s32 @!p0 $0x88, s6;
	s7 =	simm.s32 @p2 $0x1082  }
0x22: {  	[simem:s7], [sflag:s8] =	dma.local @!p0 [hbm:s6], $0xF7A  }
0x23: {  	s9 =	sor.u32 $0xD0000000, s2;
	s6 =	simm.s32 $0x108;
	_ =	swait.ge @!p0 [sflag:s8], $0x0  }
0x24: {  	s3 =	sadd.s32 $0x88, s3;
	s6 =	simm.s32 @!p1 $0x1082;
	[sflag:s4] =	ssyncset.s32 $0xFFFFF086  }
0x25: {  	[simem:s6], [sflag:s4] =	dma.local [hbm:s3], $0xF7A  }
0x26: {  	[smem:$0x3F9F] =	sst s1;
	(tag) =	ssettag s2;
	_ =	strace s9  }
0x27: {  	s1 =	sld [smem:$0x3FAF]  }
0x28: {  	s2 =	sld [smem:$0x3FB0]  }
0x29: {  	s4 =	sld [smem:$0x3FB2]  }
0x2a: {  	p0 =	seq.s32 s5, $0x0;
	s5 =	sld [smem:$0x3FB3]  }
0x2b: {  	s6 =	sld [smem:$0x3FB4]  }
0x2c: {  	s7 =	sld [smem:$0x3FB5]  }
0x2d: {  	s3 =	simm.s32 $0x108;
	s8 =	sld [smem:$0x3FB6]  }
0x2e: {  	s3 =	simm.s32 @!p0 $0x1082;
	s9 =	sld [smem:$0x3FB7]  }
0x2f: {  	lr =	sadd.s32 s0, s3;
	s0 =	sld [smem:$0x3FAE]  }
0x30: {  	s3 =	sld [smem:$0x3FB1]  }
0x31: {  	[smem:$0x3FBA] =	sst s10  }
0x32: {  	s10 =	sld [smem:$0x3FB8];
	_ =	sdelay $0x3  }
0x33: {  	p0 =	seq.s32 s10, $0x1;
	s10 =	sld [smem:$0x3FBA];
	_ =	sdelay $0x3  }
0x34: {  	[smem:$0x3FBA] =	sst s10  }
0x35: {  	s10 =	sld [smem:$0x3FB9];
	_ =	sdelay $0x3  }
0x36: {  	p1 =	seq.s32 s10, $0x1;
	s10 =	sld [smem:$0x3FBA];
	_ =	sdelay $0x3  }
0x37: {  	[smem:$0x3FBA] =	sst s10  }
0x38: {  	s10 =	sld [smem:$0x3FBB]  }
0x39: {  	_ = 	snop;
	(pc) =	sbr.ind lr, $3  }
0x3a: {  	_ = 	snop  }
0x3b: {  	_ = 	snop  }
0x3c: {  	p2 =	seq.s32 s10, $0x1;
	s10 =	sld [smem:$0x3FBA]  }
0x3d: {  	_ =	shalt  }
0x3e: {  	_ =	shalt  }
0x3f: {  	_ =	shalt  }
0x40: {  	_ =	shalt  }
0x41: {  	_ =	shalt  }
0x42: {  	_ =	shalt  }
0x43: {  	_ =	shalt  }
0x44: {  	_ =	shalt  }
0x45: {  	_ =	shalt  }
0x46: {  	_ =	shalt  }
0x47: {  	_ =	shalt  }
0x48: {  	_ =	shalt  }
0x49: {  	_ =	shalt  }
0x4a: {  	_ =	shalt  }
0x4b: {  	_ =	shalt  }
0x4c: {  	_ =	shalt  }
0x4d: {  	_ =	shalt  }
0x4e: {  	_ =	shalt  }
0x4f: {  	_ =	shalt  }
0x50: {  	_ =	shalt  }
0x51: {  	_ =	shalt  }
0x52: {  	_ =	shalt  }
0x53: {  	_ =	shalt  }
0x54: {  	_ =	shalt  }
0x55: {  	_ =	shalt  }
0x56: {  	_ =	shalt  }
0x57: {  	_ =	shalt  }
0x58: {  	_ =	shalt  }
0x59: {  	_ =	shalt  }
0x5a: {  	_ =	shalt  }
0x5b: {  	_ =	shalt  }
0x5c: {  	_ =	shalt  }
0x5d: {  	_ =	shalt  }
0x5e: {  	_ =	shalt  }
0x5f: {  	_ =	shalt  }
0x60: {  	_ =	shalt  }
0x61: {  	_ =	shalt  }
0x62: {  	_ =	shalt  }
0x63: {  	_ =	shalt  }
0x64: {  	_ =	shalt  }
0x65: {  	_ =	shalt  }
0x66: {  	_ =	shalt  }
0x67: {  	_ =	shalt  }
0x68: {  	_ =	shalt  }
0x69: {  	_ =	shalt  }
0x6a: {  	_ =	shalt  }
0x6b: {  	_ =	shalt  }
0x6c: {  	_ =	shalt  }
0x6d: {  	_ =	shalt  }
0x6e: {  	_ =	shalt  }
0x6f: {  	_ =	shalt  }
0x70: {  	_ =	shalt  }
0x71: {  	_ =	shalt  }
0x72: {  	_ =	shalt  }
0x73: {  	_ =	shalt  }
0x74: {  	_ =	shalt  }
0x75: {  	_ =	shalt  }
0x76: {  	_ =	shalt  }
0x77: {  	_ =	shalt  }
0x78: {  	_ =	shalt  }
0x79: {  	_ =	shalt  }
0x7a: {  	_ =	shalt  }
0x7b: {  	_ =	shalt  }
0x7c: {  	_ =	shalt  }
0x7d: {  	_ =	shalt  }
0x7e: {  	_ =	shalt  }
0x7f: {  	_ =	shalt  }
0x80: {  	_ =	shalt  }
0x81: {  	_ =	shalt  }
0x82: {  	_ =	shalt  }
0x83: {  	_ =	shalt  }
0x84: {  	_ =	shalt  }
0x85: {  	_ =	shalt  }
0x86: {  	_ =	shalt  }
0x87: {  	_ =	shalt  }
.Lfunc_end0:
.L_simem_size_0:
called_computation.1_lowered:
.L_overlay_start_0:
0x88: {  	s2 =	sld [smem:$0x3FD9]  }
0x89: {  	s3 =	sld [smem:$0x3FFE];
	_ =	sdelay $0x1  }
0x8a: {  	s1 =	srdreg.scid  }
0x8b: {  	s0 =	sand.u32 $0x1, s1  }
0x8c: {  	s17 =	sshll.u32 s0, $0xA;
	s2 =	sadd.s32 s3, s2  }
0x8d: {  	s2 =	sadd.s32 s2, s17  }
0x8e: {  	[smem:$0x3FC6] =	sst s2  }
0x8f: {  	_ = 	snop  }
0x90: {  	s2 =	sld [smem:$0x3FD0];
	(tm) =	ssettm $0x1  }
0x91: {  	s18 =	sld [smem:$0x3FFB];
	_ =	sdelay $0x3  }
0x92: {  	_ =	strace s18  }
0x93: {  	s3 =	sld [smem:$0x3FFC];
	_ =	sdelay $0x3  }
0x94: {  	_ =	strace s3  }
0x95: {  	s3 =	sld [smem:$0x3FFD];
	_ =	sdelay $0x3  }
0x96: {  	_ =	strace s3  }
0x97: {  	_ =	strace $0x8FFFFFFF  }
0x98: {  	s19 =	sld [smem:$0x3FDB];
	_ =	sdelay $0x1  }
0x99: {  	s4 =	simm.s32 $_scs_section_size  }
0x9a: {  	s5 =	simm.s32 $_size__tile_overlayer_lowered;
	s6 =	simm.s32 $_tile_overlayer_lowered  }
0x9b: {  	s22 =	simm.s32 $0x1BFF;
	s21 =	sshll.u32 s6, $0x1;
	s3 =	sadd.s32 s4, s19  }
0x9c: {  	s7 =	simm.s32 $0x0;
	s20 =	sshll.u32 s5, $0x1;
	s5 =	sadd.s32 s21, s3  }
0x9d: {  	[timem:s7], [sflag:s22] =	dma.local [hbm:s5], s20  }
0x9e: {  	_ =	swait.ge [sflag:s22], s20  }
0x9f: {  	s4 =	ssub.s32 $0x0, s20;
	[sflag:s22] =	ssyncset.done $0x0  }
0xa0: {  	[sflag:s22] =	ssyncadd.s32 s4;
	_ =	sdelay $0x1  }
0xa1: {  	s23 =	simm.s32 $0x1B8B  }
0xa2: {  	_ =	swait.ge [sflag:s23], $0x1  }
0xa3: {  	[sflag:s23] =	ssyncset.done $0x0  }
0xa4: {  	s25 =	simm.s32 $0x1B8E;
	s24 =	sld [smem:$0x3FFE];
	[sflag:s23] =	ssyncadd.s32 $0xFFFFFFFF  }
0xa5: {  	s26 =	simm.s32 $execute0_lowered;
	[smem:$0x3FD2] =	sst s25  }
0xa6: {  	s5 =	sshll.u32 s26, $0x1;
	_ =	strace $0x80000046;
	[dreg:$0x1] =	wrdreg $0xFFFFFFFF  }
0xa7: {  	s28 =	simm.s32 $_size_execute0_lowered;
	s3 =	sadd.s32 s3, s5;
	[dreg:$0x0] =	wrdreg $0x0  }
0xa8: {  	s5 =	sshll.u32 s28, $0x1;
	[dreg:$0x2] =	wrdreg s3  }
0xa9: {  	[dreg:$0x3] =	wrdreg s5  }
0xaa: {  	[dreg:$0x4] =	wrdreg $0xC0  }
0xab: {  	_ =	task [dreg:s7], $0x5FFFF  }
0xac: {  	[dreg:$0x1] =	wrdreg $0xFFFFFFFF  }
0xad: {  	[dreg:$0x0] =	wrdreg $0x60  }
0xae: {  	[dreg:$0x2] =	wrdreg s24  }
0xaf: {  	[dreg:$0x3] =	wrdreg s2  }
0xb0: {  	[dreg:$0x4] =	wrdreg $0x9  }
0xb1: {  	_ =	task.clear_ibuf [dreg:s7], $0x5FFFF;
	_ =	strace $0x90000046  }
0xb2: {  	s29 =	simm.s32 $0x9;
	_ =	strace $0x80000048  }
0xb3: {  	_ =	swait.ge [sflag:s29], $0x1  }
0xb4: {  	[sflag:s29] =	ssyncadd.s32 $0xFFFFFFFF  }
0xb5: {  	_ =	strace $0x90000048  }
0xb6: {  	_ =	sfence  }
0xb7: {  	s30 =	sld [smem:$0x0];
	_ =	sdelay $0x2  }
0xb8: {  	s31 =	sshll.u32 s1, $0xD;
	s1 =	sshrl.u32 s1, $0x2  }
0xb9: {  	s3 =	sand.u32 $0x4000, s31;
	s1 =	sadd.s32 s1, s30  }
0xba: {  	s0 =	sor.u32 s3, s0;
	s1 =	sshll.u32 s1, $0x11  }
0xbb: {  	s0 =	sor.u32 s1, s0  }
0xbc: {  	s0 =	sadd.s32 $0x8F2B, s0  }
0xbd: {  	[sflag:s0] =	ssyncadd.remote.s32 $0x1  }
0xbe: {  	_ =	sfence.sel $0xFFFF  }
0xbf: {  	[dreg:$0x0] =	wrdreg $0xFFFFFFFF;
	(pc) =	sbr.abs _section_cstart, $3  }
0xc0: {  	[dreg:$0x1] =	wrdreg $0xFFFFFFFF  }
0xc1: {  	_ =	task.clear_ibuf [dreg:s7], $0x2FFFF;
	_ =	strace $0x9FFFFFFF  }
0xc2: {  	(tm) =	ssettm $0x7FFFFFFF  }
0xc3: {  	_ =	shalt  }
tec
execute0_lowered:
.L_overlay_start_1:
0x0: {  	(tag) =	ssettag $0x1  }
0x1: {  	s0 =	srdreg.scid;
	s3 =	rddreg [dreg:$0x0]  }
0x2: {  	s12 =	stileid.u32;
	s5 =	rddreg [dreg:$0x1];
	s2 =	simm.s32 $0x0  }
0x3: {  	s31 =	simm.s32 $0x2400;
	s13 =	simm.s32 $0x100;
	s14 =	simm.s32 $0x4400  }
0x4: {  	s15 =	simm.s32 $0x180;
	s16 =	simm.s32 $0x6400;
	s17 =	simm.s32 $0x3  }
0x5: {  	s18 =	simm.s32 $0x2;
	s19 =	simm.s32 $0x8400;
	s20 =	simm.s32 $0x280  }
0x6: {  	s29 =	simm.s32 $0x6;
	s30 =	simm.s32 $0x0;
	s6 =	smul.u32 $0x190000, s12  }
0x7: {  	s0 =	sand.u32 $0x1, s0;
	s1 =	sshll.u32 s12, $0x1;
	s8 =	smul.u32 $0xC80000, s12  }
0x8: {  	[smem:$0x7FF] =	sst s2;
	s9 =	sadd.s32 $0x1400, s3;
	s12 =	smul.u32 $0x32000, s12  }
0x9: {  	s3 =	sadd.s32 $0x800, s3;
	s1 =	sor.u32 s0, s1;
	s7 =	smul.u32 $0xC8000, s0  }
0xa: {  	_ =	strace $0x80000047;
	s4 =	ssub.s32 $0x2, s0;
	s11 =	smul.u32 $0x640000, s0  }
0xb: {  	s0 =	smul.u32 $0x19000, s0;
	[dreg:$0x5] =	wrdreg s31;
	s10 =	sshrl.u32 s4, $0x1  }
0xc: {  	s1 =	smul.u32 $0x3200, s1;
	s22 =	sadd.s32 s6, s5;
	s10 =	ssub.s32 s4, s10  }
0xd: {  	s24 =	sadd.s32 s11, s8;
	s0 =	sadd.s32 s0, s12;
	s11 =	simm.s32 $0x80  }
0xe: {  	s12 =	simm.s32 $0x400;
	s21 =	sadd.s32 s9, s1;
	s23 =	smax.u32 s10, $0x1  }
0xf: {  	s1 =	sadd.s32 s7, s22;
	s25 =	sshrl.u32 s24, $0x3;
	s26 =	sor.u32 $0x600, s0  }
0x10: {  	s0 =	sor.u32 $0x400, s0;
	s10 =	simm.s32 $0x1;
	s22 =	simm.s32 $0x300  }
0x11: {  	s24 =	simm.s32 $0x380;
	[dreg:$0x6] =	wrdreg s21;
	s4 =	sadd.s32 $0x40, s21  }
0x12: {  	[dreg:$0x8] =	wrdreg s23;
	s1 =	sadd.s32 $0x1000, s1;
	s28 =	sshrl.u32 s26, $0x3  }
0x13: {  	s0 =	sshrl.u32 s0, $0x3;
	s21 =	simm.s32 $0xA400;
	[dreg:$0x7] =	wrdreg s4  }
0x14: {  	s23 =	simm.s32 $0xC400;
	s26 =	simm.s32 $0x4;
	[dreg:$0x3] =	wrdreg s1  }
0x15: {  	s1 =	sadd.s32 s25, s5;
	s7 =	sadd.s32 s28, s9;
	s8 =	sadd.s32 s0, s9  }
0x16: {  	s9 =	simm.s32 $0x200;
	s25 =	simm.s32 $0xE400;
	[dreg:$0x4] =	wrdreg s1  }
.LBB2_1:
0x17: {  	s0 =	rddreg [dreg:$0x6]  }
0x18: {  	[tilespmem:s2], [sflag:$0x1] =	stream.linear.gather [hbm4b:s0+s2], $0x200, $0x38;
	[tilespmem:$0x10400] =	vst v63  }
0x19: {  	s4 =	rddreg [dreg:$0x7]  }
0x1a: {  	[tilespmem:s9], [sflag:$0x2] =	stream.linear.gather [hbm4b:s4+s2], $0x200, $0x38;
	[tilespmem:$0x10400] =	vst v63  }
0x1b: {  	_ =	swait.ge [sflag:s10], $0x200  }
0x1c: {  	p0 =	por $0x1, $0x1;
	[sflag:s10] =	ssyncset.done $0x0  }
0x1d: {  	s0 =	simm.s32 @!p0 $0x5;
	[sflag:s10] =	ssyncadd.s32 $0xFFFFFE00  }
0x1e: {  	_ =	swait.ge @!p0 [sflag:s0], $0x8000  }
0x1f: {  	[sflag:s0] =	ssyncset.done @!p0 $0x0  }
0x20: {  	[sflag:s0] =	ssyncadd.s32 @!p0 $0xFFFF8000  }
0x21: {  	[tilespmem:s12], [sflag:$0x3] =	stream.indirect.gather [hbm4b:s3+s11], $0x40, s2, s11, $0xb8;
	[tilespmem:$0x10400] =	vst v63  }
0x22: {  	s5 =	rddreg [dreg:$0x5]  }
0x23: {  	[tilespmem:s5], [sflag:$0x3] =	stream.indirect.gather [hbm4b:s3+s11], $0x40, s11, s11, $0xb8;
	[tilespmem:$0x10400] =	vst v63  }
0x24: {  	_ = 	snop  }
0x25: {  	[tilespmem:s14], [sflag:$0x3] =	stream.indirect.gather [hbm4b:s3+s11], $0x40, s13, s11, $0xb8;
	[tilespmem:$0x10400] =	vst v63  }
0x26: {  	_ = 	snop  }
0x27: {  	[tilespmem:s16], [sflag:$0x3] =	stream.indirect.gather [hbm4b:s3+s11], $0x40, s15, s11, $0xb8;
	[tilespmem:$0x10400] =	vst v63  }
0x28: {  	_ =	swait.ge [sflag:s17], $0x2000  }
0x29: {  	[sflag:s17] =	ssyncset.done $0x0  }
0x2a: {  	[sflag:s17] =	ssyncadd.s32 $0xFFFFE000  }
0x2b: {  	_ =	swait.ge [sflag:s17], $0x2000  }
0x2c: {  	[sflag:s17] =	ssyncset.done $0x0  }
0x2d: {  	[sflag:s17] =	ssyncadd.s32 $0xFFFFE000  }
0x2e: {  	_ =	swait.ge [sflag:s17], $0x2000  }
0x2f: {  	[sflag:s17] =	ssyncset.done $0x0  }
0x30: {  	[sflag:s17] =	ssyncadd.s32 $0xFFFFE000  }
0x31: {  	_ =	swait.ge [sflag:s17], $0x2000  }
0x32: {  	p1 =	por $0x0, $0x0;
	[sflag:s17] =	ssyncset.done $0x0  }
0x33: {  	s1 =	simm.s32 @!p1 $0x0;
	s6 =	rddreg [dreg:$0x4];
	[sflag:s17] =	ssyncadd.s32 $0xFFFFE000  }
0x34: {  	[tilespmem:s1], [sflag:$0x1] =	stream.linear.gather @!p1 [hbm4b:s8+s1], $0x200, $0x38;
	[tilespmem:$0x10400] =	vst v63  }
0x35: {  	s0 =	sadd.s32 $0x0, s6  }
0x36: {  	[hbm4b:s0+s2] =	stream.linear.scatter [tilespmem:s12], [sflag:$0x5], $0x8000, $0x38;
	[tilespmem:$0x10400] =	vst v63  }
0x37: {  	_ =	swait.ge [sflag:s18], $0x200  }
0x38: {  	[sflag:s18] =	ssyncset.done $0x0  }
0x39: {  	s0 =	simm.s32 @!p0 $0x6;
	[sflag:s18] =	ssyncadd.s32 $0xFFFFFE00  }
0x3a: {  	_ =	swait.ge @!p0 [sflag:s0], $0x8000  }
0x3b: {  	[sflag:s0] =	ssyncset.done @!p0 $0x0  }
0x3c: {  	[sflag:s0] =	ssyncadd.s32 @!p0 $0xFFFF8000  }
0x3d: {  	[tilespmem:s19], [sflag:$0x4] =	stream.indirect.gather [hbm4b:s3+s11], $0x40, s9, s11, $0xb8;
	[tilespmem:$0x10400] =	vst v63  }
0x3e: {  	_ = 	snop  }
0x3f: {  	[tilespmem:s21], [sflag:$0x4] =	stream.indirect.gather [hbm4b:s3+s11], $0x40, s20, s11, $0xb8;
	[tilespmem:$0x10400] =	vst v63  }
0x40: {  	_ = 	snop  }
0x41: {  	[tilespmem:s23], [sflag:$0x4] =	stream.indirect.gather [hbm4b:s3+s11], $0x40, s22, s11, $0xb8;
	[tilespmem:$0x10400] =	vst v63  }
0x42: {  	_ = 	snop  }
0x43: {  	[tilespmem:s25], [sflag:$0x4] =	stream.indirect.gather [hbm4b:s3+s11], $0x40, s24, s11, $0xb8;
	[tilespmem:$0x10400] =	vst v63  }
0x44: {  	_ =	swait.ge [sflag:s26], $0x2000  }
0x45: {  	[sflag:s26] =	ssyncset.done $0x0  }
0x46: {  	[sflag:s26] =	ssyncadd.s32 $0xFFFFE000  }
0x47: {  	_ =	swait.ge [sflag:s26], $0x2000  }
0x48: {  	[sflag:s26] =	ssyncset.done $0x0  }
0x49: {  	[sflag:s26] =	ssyncadd.s32 $0xFFFFE000  }
0x4a: {  	_ =	swait.ge [sflag:s26], $0x2000  }
0x4b: {  	[sflag:s26] =	ssyncset.done $0x0  }
0x4c: {  	[sflag:s26] =	ssyncadd.s32 $0xFFFFE000  }
0x4d: {  	_ =	swait.ge [sflag:s26], $0x2000  }
0x4e: {  	s31 =	simm.s32 $0x2000;
	[sflag:s26] =	ssyncset.done $0x0  }
0x4f: {  	s5 =	simm.s32 @!p1 $0x200;
	s28 =	rddreg [dreg:$0x3];
	[sflag:s26] =	ssyncadd.s32 $0xFFFFE000  }
0x50: {  	[tilespmem:s5], [sflag:$0x2] =	stream.linear.gather @!p1 [hbm4b:s7+s1], $0x200, $0x38;
	[tilespmem:$0x10400] =	vst v63  }
0x51: {  	s0 =	sadd.s32 $0x80, s8;
	s5 =	sadd.s32 $0x0, s28;
	s1 =	sadd.s32 $0x80, s7  }
.LBB2_2:
0x52: {  	[hbm4b:s5+s2] =	stream.linear.scatter [tilespmem:s19], [sflag:$0x6], $0x8000, $0x38;
	[tilespmem:$0x10400] =	vst v63  }
0x53: {  	s5 =	smov.u32 s31;
	_ =	swait.ge [sflag:s10], $0x200  }
0x54: {  	p1 =	seq.s32 s5, $0x0;
	[sflag:s10] =	ssyncset.done $0x0  }
0x55: {  	s6 =	simm.s32 @!p1 $0x5;
	[sflag:s10] =	ssyncadd.s32 $0xFFFFFE00  }
0x56: {  	_ =	swait.ge @!p1 [sflag:s6], $0x8000  }
0x57: {  	[sflag:s6] =	ssyncset.done @!p1 $0x0  }
0x58: {  	[sflag:s6] =	ssyncadd.s32 @!p1 $0xFFFF8000  }
0x59: {  	[tilespmem:s12], [sflag:$0x3] =	stream.indirect.gather [hbm4b:s3+s11], $0x40, s2, s11, $0xb8;
	[tilespmem:$0x10400] =	vst v63  }
0x5a: {  	s4 =	rddreg [dreg:$0x5]  }
0x5b: {  	[tilespmem:s4], [sflag:$0x3] =	stream.indirect.gather [hbm4b:s3+s11], $0x40, s11, s11, $0xb8;
	[tilespmem:$0x10400] =	vst v63  }
0x5c: {  	_ = 	snop  }
0x5d: {  	[tilespmem:s14], [sflag:$0x3] =	stream.indirect.gather [hbm4b:s3+s11], $0x40, s13, s11, $0xb8;
	[tilespmem:$0x10400] =	vst v63  }
0x5e: {  	_ = 	snop  }
0x5f: {  	[tilespmem:s16], [sflag:$0x3] =	stream.indirect.gather [hbm4b:s3+s11], $0x40, s15, s11, $0xb8;
	[tilespmem:$0x10400] =	vst v63  }
0x60: {  	_ =	swait.ge [sflag:s17], $0x2000  }
0x61: {  	[sflag:s17] =	ssyncset.done $0x0  }
0x62: {  	[sflag:s17] =	ssyncadd.s32 $0xFFFFE000  }
0x63: {  	_ =	swait.ge [sflag:s17], $0x2000  }
0x64: {  	[sflag:s17] =	ssyncset.done $0x0  }
0x65: {  	[sflag:s17] =	ssyncadd.s32 $0xFFFFE000  }
0x66: {  	_ =	swait.ge [sflag:s17], $0x2000  }
0x67: {  	[sflag:s17] =	ssyncset.done $0x0  }
0x68: {  	[sflag:s17] =	ssyncadd.s32 $0xFFFFE000  }
0x69: {  	_ =	swait.ge [sflag:s17], $0x2000  }
0x6a: {  	p2 =	seq.s32 s5, $0xC6000;
	[sflag:s17] =	ssyncset.done $0x0  }
0x6b: {  	s4 =	simm.s32 @!p2 $0x0;
	s28 =	rddreg [dreg:$0x4];
	[sflag:s17] =	ssyncadd.s32 $0xFFFFE000  }
0x6c: {  	[tilespmem:s4], [sflag:$0x1] =	stream.linear.gather @!p2 [hbm4b:s0+s4], $0x200, $0x38;
	[tilespmem:$0x10400] =	vst v63  }
0x6d: {  	s6 =	sadd.s32 s5, s28  }
0x6e: {  	[hbm4b:s6+s2] =	stream.linear.scatter [tilespmem:s12], [sflag:$0x5], $0x8000, $0x38;
	[tilespmem:$0x10400] =	vst v63  }
0x6f: {  	_ =	swait.ge [sflag:s18], $0x200  }
0x70: {  	[sflag:s18] =	ssyncset.done $0x0  }
0x71: {  	s6 =	simm.s32 @!p1 $0x6;
	[sflag:s18] =	ssyncadd.s32 $0xFFFFFE00  }
0x72: {  	_ =	swait.ge @!p1 [sflag:s6], $0x8000  }
0x73: {  	[sflag:s6] =	ssyncset.done @!p1 $0x0  }
0x74: {  	[sflag:s6] =	ssyncadd.s32 @!p1 $0xFFFF8000  }
0x75: {  	[tilespmem:s19], [sflag:$0x4] =	stream.indirect.gather [hbm4b:s3+s11], $0x40, s9, s11, $0xb8;
	[tilespmem:$0x10400] =	vst v63  }
0x76: {  	_ = 	snop  }
0x77: {  	[tilespmem:s21], [sflag:$0x4] =	stream.indirect.gather [hbm4b:s3+s11], $0x40, s20, s11, $0xb8;
	[tilespmem:$0x10400] =	vst v63  }
0x78: {  	_ = 	snop  }
0x79: {  	[tilespmem:s23], [sflag:$0x4] =	stream.indirect.gather [hbm4b:s3+s11], $0x40, s22, s11, $0xb8;
	[tilespmem:$0x10400] =	vst v63  }
0x7a: {  	_ = 	snop  }
0x7b: {  	[tilespmem:s25], [sflag:$0x4] =	stream.indirect.gather [hbm4b:s3+s11], $0x40, s24, s11, $0xb8;
	[tilespmem:$0x10400] =	vst v63  }
0x7c: {  	_ =	swait.ge [sflag:s26], $0x2000  }
0x7d: {  	[sflag:s26] =	ssyncset.done $0x0  }
0x7e: {  	[sflag:s26] =	ssyncadd.s32 $0xFFFFE000  }
0x7f: {  	_ =	swait.ge [sflag:s26], $0x2000  }
0x80: {  	[sflag:s26] =	ssyncset.done $0x0  }
0x81: {  	[sflag:s26] =	ssyncadd.s32 $0xFFFFE000  }
0x82: {  	_ =	swait.ge [sflag:s26], $0x2000  }
0x83: {  	s31 =	sadd.s32 $0x2000, s31;
	[sflag:s26] =	ssyncset.done $0x0  }
0x84: {  	p0 =	sne.s32 s31, $0xC8000;
	[sflag:s26] =	ssyncadd.s32 $0xFFFFE000  }
.Ltmp0:
0x85: {  	_ =	swait.ge [sflag:s26], $0x2000;
	(pc) =	sbr.rel @p0 .LBB2_2-.Ltmp0, $4  }
0x86: {  	[sflag:s26] =	ssyncset.done $0x0  }
0x87: {  	s28 =	simm.s32 @!p2 $0x200;
	s6 =	rddreg [dreg:$0x3];
	[sflag:s26] =	ssyncadd.s32 $0xFFFFE000  }
0x88: {  	[tilespmem:s28], [sflag:$0x2] =	stream.linear.gather @!p2 [hbm4b:s1+s4], $0x200, $0x38;
	[tilespmem:$0x10400] =	vst v63  }
0x89: {  	s0 =	sadd.s32 $0x80, s0;
	s5 =	sadd.s32 s5, s6;
	s1 =	sadd.s32 $0x80, s1  }
0x8a: {  	[hbm4b:s5+s2] =	stream.linear.scatter [tilespmem:s19], [sflag:$0x6], $0x8000, $0x38;
	[tilespmem:$0x10400] =	vst v63  }
0x8b: {  	s0 =	simm.s32 $0x5  }
0x8c: {  	_ =	swait.ge [sflag:s0], $0x8000  }
0x8d: {  	[sflag:s0] =	ssyncset.done $0x0  }
0x8e: {  	[sflag:s0] =	ssyncadd.s32 $0xFFFF8000  }
0x8f: {  	_ =	swait.ge [sflag:s29], $0x8000  }
0x90: {  	s30 =	sadd.s32 $0x1, s30;
	s31 =	rddreg [dreg:$0x8]  }
0x91: {  	p0 =	sne.s32 s30, s31  }
.Ltmp1:
0x92: {  	_ = 	snop;
	(pc) =	sbr.rel @p0 .LBB2_1-.Ltmp1, $3  }
0x93: {  	_ =	sdelay $0x1  }
0x94: {  	[sflag:s29] =	ssyncset.done $0x0  }
0x95: {  	[sflag:s29] =	ssyncadd.s32 $0xFFFF8000  }
0x96: {  	_ =	sfence.sel $0x180000  }
0x97: {  	[bflag:$0x0] =	sbarrier.arrive $0xFFFF  }
0x98: {  	_ =	strace $0x90000047  }
0x99: {  	s0 =	stileid.u32;
	[bflag:$0x2] =	sbarrier.arrive $0xFFFF  }
0x9a: {  	p0 =	sne.s32 s0, $0x0;
	s0 =	rddreg [dreg:$0x2]  }
0x9b: {  	s0 =	sadd.s32 @!p0 $0x100000, s0  }
0x9c: {  	[sflag:s0] =	ssyncadd.tile.s32 @!p0 $0x1;
	_ =	shalt  }
.Lfunc_end2:
_tile_overlayer_lowered:
.L_overlay_start_2:
0x9d: {  	(tag) =	ssettag $0x2  }
0x9e: {  	s0 =	rddreg [dreg:$0x0];
	s2 =	stileid.u32  }
0x9f: {  	s1 =	rddreg [dreg:$0x1];
	p0 =	sne.s32 s2, $0x0  }
0xa0: {  	s3 =	rddreg [dreg:$0x2];
	[bflag:$0x3] =	sbarrier.arrive $0xFFFF;
	s2 =	simm.s32 @!p0 $0x1C07  }
0xa1: {  	[timem:s3], [sflag:s2] =	dma.local @!p0 [hbm:s0], s1  }
0xa2: {  	s0 =	simm.s32 @!p0 $0x7  }
0xa3: {  	_ =	swait.ge @!p0 [sflag:s0], s1  }
0xa4: {  	s1 =	ssub.s32 @!p0 $0x0, s1;
	[sflag:s0] =	ssyncset.done @!p0 $0x0  }
0xa5: {  	[sflag:s0] =	ssyncadd.s32 @!p0 s1  }
0xa6: {  	[bflag:$0x3] =	sbarrier.arrive $0xFFFF  }
0xa7: {  	_ =	shalt  }

// kernel: sparse-core-data-format-call.cloned.1.call-start
scs
called_computation_lowered:
.L_overlay_start_0:
0x0: {  	s2 =	sld [smem:$0x3FD9]  }
0x1: {  	s3 =	sld [smem:$0x3FFE];
	_ =	sdelay $0x1  }
0x2: {  	s1 =	srdreg.scid  }
0x3: {  	s0 =	sand.u32 $0x1, s1  }
0x4: {  	s18 =	sshll.u32 s0, $0xA;
	s2 =	sadd.s32 s3, s2  }
0x5: {  	s2 =	sadd.s32 s2, s18  }
0x6: {  	[smem:$0x3FC6] =	sst s2  }
0x7: {  	_ = 	snop  }
0x8: {  	s2 =	sld [smem:$0x3FD0];
	(tm) =	ssettm $0x1  }
0x9: {  	s19 =	sld [smem:$0x3FFB];
	_ =	sdelay $0x3  }
0xa: {  	_ =	strace s19  }
0xb: {  	s3 =	sld [smem:$0x3FFC];
	_ =	sdelay $0x3  }
0xc: {  	_ =	strace s3  }
0xd: {  	s3 =	sld [smem:$0x3FFD];
	_ =	sdelay $0x3  }
0xe: {  	_ =	strace s3  }
0xf: {  	_ =	strace $0x8FFFFFFF  }
0x10: {  	s20 =	sld [smem:$0x3FDB];
	_ =	sdelay $0x1  }
0x11: {  	s4 =	simm.s32 $_scs_section_size  }
0x12: {  	s5 =	simm.s32 $_size__tile_overlayer_lowered;
	s6 =	simm.s32 $_tile_overlayer_lowered  }
0x13: {  	s23 =	simm.s32 $0x1BFF;
	s22 =	sshll.u32 s6, $0x1;
	s3 =	sadd.s32 s4, s20  }
0x14: {  	s7 =	simm.s32 $0x0;
	s21 =	sshll.u32 s5, $0x1;
	s5 =	sadd.s32 s22, s3  }
0x15: {  	[timem:s7], [sflag:s23] =	dma.local [hbm:s5], s21  }
0x16: {  	_ =	swait.ge [sflag:s23], s21  }
0x17: {  	s4 =	ssub.s32 $0x0, s21;
	[sflag:s23] =	ssyncset.done $0x0  }
0x18: {  	[sflag:s23] =	ssyncadd.s32 s4;
	_ =	sdelay $0x1  }
0x19: {  	s24 =	simm.s32 $0x1B8B  }
0x1a: {  	_ =	swait.ge [sflag:s24], $0x1  }
0x1b: {  	[sflag:s24] =	ssyncset.done $0x0  }
0x1c: {  	s26 =	simm.s32 $0x1B8E;
	s25 =	sld [smem:$0x3FFE];
	[sflag:s24] =	ssyncadd.s32 $0xFFFFFFFF  }
0x1d: {  	s27 =	simm.s32 $execute0_lowered;
	[smem:$0x3FD2] =	sst s26  }
0x1e: {  	s5 =	sshll.u32 s27, $0x1;
	_ =	strace $0x80000049;
	[dreg:$0x1] =	wrdreg $0xFFFFFFFF  }
0x1f: {  	s28 =	simm.s32 $_size_execute0_lowered;
	s3 =	sadd.s32 s3, s5;
	[dreg:$0x0] =	wrdreg $0x0  }
0x20: {  	s5 =	sshll.u32 s28, $0x1;
	[dreg:$0x2] =	wrdreg s3  }
0x21: {  	[dreg:$0x3] =	wrdreg s5  }
0x22: {  	[dreg:$0x4] =	wrdreg $0xC0  }
0x23: {  	_ =	task [dreg:s7], $0x5FFFF  }
0x24: {  	[dreg:$0x1] =	wrdreg $0xFFFFFFFF  }
0x25: {  	[dreg:$0x0] =	wrdreg $0x60  }
0x26: {  	[dreg:$0x2] =	wrdreg s25  }
0x27: {  	[dreg:$0x3] =	wrdreg s2  }
0x28: {  	[dreg:$0x4] =	wrdreg $0x9  }
0x29: {  	_ =	task.clear_ibuf [dreg:s7], $0x5FFFF;
	_ =	strace $0x90000049  }
0x2a: {  	s29 =	simm.s32 $0x9;
	_ =	strace $0x8000004B  }
0x2b: {  	_ =	swait.ge [sflag:s29], $0x1  }
0x2c: {  	[sflag:s29] =	ssyncadd.s32 $0xFFFFFFFF  }
0x2d: {  	_ =	strace $0x9000004B  }
0x2e: {  	_ =	sfence  }
0x2f: {  	s30 =	sld [smem:$0x0];
	_ =	sdelay $0x2  }
0x30: {  	s31 =	sshll.u32 s1, $0xD;
	s1 =	sshrl.u32 s1, $0x2  }
0x31: {  	s3 =	sand.u32 $0x4000, s31;
	s1 =	sadd.s32 s1, s30  }
0x32: {  	s0 =	sor.u32 s3, s0;
	s1 =	sshll.u32 s1, $0x11  }
0x33: {  	s0 =	sor.u32 s1, s0  }
0x34: {  	s0 =	sadd.s32 $0x8F2B, s0  }
0x35: {  	[sflag:s0] =	ssyncadd.remote.s32 $0x1  }
0x36: {  	_ =	sfence.sel $0xFFFF  }
0x37: {  	[dreg:$0x0] =	wrdreg $0xFFFFFFFF;
	(pc) =	sbr.abs _section_cstart, $3  }
0x38: {  	[dreg:$0x1] =	wrdreg $0xFFFFFFFF  }
0x39: {  	_ =	task.clear_ibuf [dreg:s7], $0x2FFFF;
	_ =	strace $0x9FFFFFFF  }
0x3a: {  	(tm) =	ssettm $0x7FFFFFFF  }
0x3b: {  	_ =	shalt  }
tec
execute0_lowered:
.L_overlay_start_1:
0x0: {  	(tag) =	ssettag $0x1  }
0x1: {  	s0 =	srdreg.scid  }
0x2: {  	s1 =	sshll.u32 s0, $0x4  }
0x3: {  	s0 =	stileid.u32;
	s1 =	sand.u32 $0x10, s1  }
0x4: {  	s1 =	sor.u32 s0, s1  }
0x5: {  	s6 =	rddreg [dreg:$0x0];
	s4 =	simm.s32 $0x1;
	s2 =	sshll.u32 s1, $0x7  }
0x6: {  	s7 =	simm.s32 $0x2;
	s12 =	simm.s32 $0x0;
	s1 =	ssub.s32 $0x4000, s2  }
0x7: {  	s8 =	simm.s32 $0x20000;
	s13 =	simm.s32 $0x0;
	s3 =	sand.u32 $0xF80, s1  }
0x8: {  	s9 =	simm.s32 $0x0;
	s5 =	sshrl.u32 s1, $0xC;
	p0 =	sne.s32 s3, $0x0  }
.Ltmp0:
0x9: {  	s1 =	rddreg [dreg:$0x2];
	s4 =	simm.s32 @!p0 $0x0;
	(pc) =	sbr.rel .LBB1_1-.Ltmp0, $4  }
0xa: {  	s11 =	simm.s32 $0x0;
	s3 =	rddreg [dreg:$0x1];
	s5 =	sadd.s32 s4, s5  }
0xb: {  	_ =	strace $0x8000004A;
	s4 =	simm.s32 $0x1;
	s5 =	smul.u32 $0xC8, s5  }
0xc: {  	s6 =	sadd.s32 $0x800, s6;
	s10 =	smov.u32 s2;
	[sflag:s4] =	ssyncpa.u1 $0x0  }
0xd: {  	p0 =	por $0x0, $0x0;
	[sflag:s7] =	ssyncpa.u1 $0x0;
	s7 =	sor.u32 $0x1, s5  }
.LBB1_4:
0xe: {  	s16 =	sshll.u32 s13, $0x3;
	s17 =	sand.u32 $0x78, s13  }
0xf: {  	s30 =	sand.u32 $0x1F800, s13;
	s12 =	sshll.u32 s12, $0x11;
	s16 =	sand.u32 $0x3C00, s16  }
0x10: {  	[tilespmem:s15+$0x810 ss:$0x81] =	vst.msk $0xffff, v2;
	s31 =	sand.u32 $0x7, s13;
	s16 =	sor.u32 s17, s16;
	s17 =	sadd.s32 s3, s30  }
0x11: {  	[tilespmem:s15+$0x1020 ss:$0x81] =	vst.msk $0xffff, v0;
	s13 =	sshll.u32 s31, $0x12;
	s12 =	sadd.s32 s12, s17;
	s16 =	sshrl.u32 s16, $0x3  }
0x12: {  	[tilespmem:s15+$0x0 ss:$0x81] =	vst.msk $0xffff, v1;
	s13 =	sor.u32 $0x400, s13;
	s12 =	sadd.s32 s16, s12  }
0x13: {  	[hbm4b:s12+s13] =	stream.strided.scatter [tilespmem:s14], [sflag:$0x2], $0x2000, s8, s13, $0x20;
	[tilespmem:$0x8080] =	vst v63  }
.LBB1_5:
0x14: {  	s14 =	sadd.s32 $0x1, s9  }
0x15: {  	s12 =	sadd.s32 $0x1000, s10;
	s16 =	smov.u32 s10;
	p2 =	sgt.s32 s14, $0xC7  }
0x16: {  	s16 =	smov.u32 @p2 s12  }
0x17: {  	s14 =	simm.s32 @p2 $0x0;
	p2 =	sgt.s32 s16, $0x3FFF  }
0x18: {  	s16 =	smov.u32 @p2 s2;
	p2 =	sne.s32 s11, s7  }
.Ltmp1:
0x19: {  	p1 =	slt.u32 s11, $0x2;
	(pc) =	sbr.rel @!p2 .LBB1_6-.Ltmp1, $4  }
0x1a: {  	s15 =	simm.s32 @!p1 $0x2  }
0x1b: {  	s13 =	smov.u32 s10;
	p0 =	por !p0, !p0;
	_ =	swait.ge @!p1 [sflag:s15], $0x2000  }
0x1c: {  	s12 =	smov.u32 s9;
	[sflag:s15] =	ssyncset.done @!p1 $0x0;
	s9 =	smov.u32 s14  }
0x1d: {  	s11 =	sadd.s32 $0x1, s11;
	[sflag:s15] =	ssyncadd.s32 @!p1 $0xFFFFE000;
	s10 =	smov.u32 s16  }
.LBB1_1:
0x1e: {  	p1 =	sge.u32 s11, s5  }
0x1f: {  	s14 =	sand.u32 @!p1 $0x1FFFFFF, s9  }
0x20: {  	s15 =	smulhi.u32 @!p1 $0x147AE15, s14;
	_ =	sdelay $0x1  }
0x21: {  	s15 =	smul.u32 @!p1 $0xC8, s15  }
0x22: {  	s16 =	sxor.u32 @!p1 $0xFFFFFFFF, s11;
	s17 =	smul.u32 @!p1 $0xC80, s10  }
0x23: {  	s31 =	sadd.s32 $0xFFFFFFFF, s11;
	s16 =	sshll.u32 @!p1 s16, $0xD;
	s14 =	ssub.s32 @!p1 s14, s15  }
0x24: {  	s15 =	sand.u32 @!p1 $0x2000, s16;
	s16 =	sadd.s32 @!p1 s6, s17;
	s14 =	sshll.u32 @!p1 s14, $0x4  }
0x25: {  	s17 =	simm.s32 @!p1 $0x6400;
	s14 =	sadd.s32 @!p1 s14, s16;
	s16 =	simm.s32 @!p1 $0x40  }
0x26: {  	[tilespmem:s15], [sflag:$0x1] =	stream.strided.gather @!p1 [hbm4b:s14+s16], $0x2000, s17, s16, $0x38;
	[tilespmem:$0x8080] =	vst v63  }
0x27: {  	p1 =	sge.u32 s31, s5  }
.Ltmp2:
0x28: {  	_ = 	snop;
	(pc) =	sbr.rel @p1 .LBB1_5-.Ltmp2, $1  }
0x29: {  	_ =	sdelay $0x3  }
0x2a: {  	s14 =	simm.s32 $0x1  }
0x2b: {  	_ =	swait.ge [sflag:s4], $0x2000;
	s14 =	simm.s32 @!p0 $0x0  }
0x2c: {  	[sflag:s4] =	ssyncset.done $0x0;
	s15 =	sshll.u32 s14, $0xD  }
0x2d: {  	[sflag:s4] =	ssyncadd.s32 $0xFFFFE000;
	s18 =	sor.u32 $0x20, s15  }
0x2e: {  	s14 =	smul.u32 $0x8100, s14;
	v3 =	vld [tilespmem:s18+$0x10]  }
0x2f: {  	s30 =	sand.u32 $0x1, s11;
	v2 =	vld [tilespmem:s18+$0xFFFFFFF0]  }
0x30: {  	s15 =	smul.u32 $0x8100, s30;
	s14 =	sshrl.u32 s14, $0x2;
	v0 =	vld [tilespmem:s18+$0x0]  }
0x31: {  	v1 =	vld [tilespmem:s18+$0xFFFFFFE0];
	s16 =	sor.u32 $0x4000, s14  }
0x32: {  	s31 =	sshrl.u32 s15, $0x2;
	s15 =	sadd.s32 $0x0, s16  }
0x33: {  	s17 =	simm.s32 $0x4;
	s18 =	sadd.s32 $0x40, s18;
	s14 =	sor.u32 $0x4000, s31;
	[tilespmem:s15+$0x1830 ss:$0x81] =	vst.msk $0xffff, v3  }
.LBB1_3:
0x34: {  	v3 =	vld [tilespmem:s18+$0x10];
	p1 =	sne.s32 s17, $0x1FC;
	[tilespmem:s15+$0x810 ss:$0x81] =	vst.msk $0xffff, v2;
	s19 =	smov.u32 s17;
	s17 =	sadd.s32 $0x4, s17  }
.Ltmp3:
0x35: {  	v2 =	vld [tilespmem:s18+$0xFFFFFFF0];
	[tilespmem:s15+$0x1020 ss:$0x81] =	vst.msk $0xffff, v0;
	(pc) =	sbr.rel @p1 .LBB1_3-.Ltmp3, $4  }
0x36: {  	v0 =	vld [tilespmem:s18+$0x0];
	[tilespmem:s15+$0x0 ss:$0x81] =	vst.msk $0xffff, v1  }
0x37: {  	s15 =	sshra.s32 s19, $0x2;
	v1 =	vld [tilespmem:s18+$0xFFFFFFE0]  }
0x38: {  	s15 =	sadd.s32 s15, s16  }
0x39: {  	s18 =	sadd.s32 $0x40, s18;
	[tilespmem:s15+$0x1830 ss:$0x81] =	vst.msk $0xffff, v3  }
.Ltmp4:
0x3a: {  	_ = 	snop;
	(pc) =	sbr.rel .LBB1_4-.Ltmp4, $1  }
0x3b: {  	_ =	sdelay $0x3  }
.LBB1_6:
0x3c: {  	_ =	sfence.sel $0x180000  }
0x3d: {  	s2 =	simm.s32 $0x1;
	[bflag:$0x0] =	sbarrier.arrive $0xFFFF  }
0x3e: {  	s31 =	simm.s32 $0x2;
	[sflag:s2] =	ssyncpa.u1 $0x1  }
0x3f: {  	[sflag:s31] =	ssyncpa.u1 $0x1  }
0x40: {  	p0 =	sne.s32 s0, $0x0;
	_ =	strace $0x9000004A  }
0x41: {  	s0 =	sadd.s32 @!p0 $0x100000, s1;
	[bflag:$0x2] =	sbarrier.arrive $0xFFFF  }
0x42: {  	[sflag:s0] =	ssyncadd.tile.s32 @!p0 $0x1;
	_ =	shalt  }
.Lfunc_end1:
_tile_overlayer_lowered:
.L_overlay_start_2:
0x43: {  	(tag) =	ssettag $0x2  }
0x44: {  	s0 =	rddreg [dreg:$0x0];
	s2 =	stileid.u32  }
0x45: {  	s1 =	rddreg [dreg:$0x1];
	p0 =	sne.s32 s2, $0x0  }
0x46: {  	s3 =	rddreg [dreg:$0x2];
	[bflag:$0x3] =	sbarrier.arrive $0xFFFF;
	s2 =	simm.s32 @!p0 $0x1C01  }
0x47: {  	[timem:s3], [sflag:s2] =	dma.local @!p0 [hbm:s0], s1  }
0x48: {  	s0 =	simm.s32 @!p0 $0x1  }
0x49: {  	_ =	swait.ge @!p0 [sflag:s0], s1  }
0x4a: {  	s1 =	ssub.s32 @!p0 $0x0, s1;
	[sflag:s0] =	ssyncset.done @!p0 $0x0  }
0x4b: {  	[sflag:s0] =	ssyncadd.s32 @!p0 s1  }
0x4c: {  	[bflag:$0x3] =	sbarrier.arrive $0xFFFF  }
0x4d: {  	_ =	shalt  }

</sc_bundles>
